<compile_context>
chip_gen: v7x
topology: tpu7x:2x2x1
jax: 0.10.2.dev20260603
libtpu: 0.0.44.dev20260713+nightly
codegen_flags: <defaults>
</compile_context>

<pallas_src>
import functools

import jax
import jax.numpy as jnp
from jax import lax
from jax.experimental import pallas as pl
from jax.experimental.pallas import tpu as pltpu
from jax.experimental.pallas import tpu_sc as plsc

_N = 2097152
_NC = 2
_NS = 16
_L = 16
_NW = _NC * _NS

_SC_N = 262144
_PER_W = _SC_N // _NW
_CHUNK = 4096
_NCHUNK = _PER_W // _CHUNK
_NBUF = 2
_UNROLL = 4

_TC1_BLK = 524288
_TC1_STEPS = 3
_TC1_OFF = 1
_TC2_BLK = 262144
_TC2_STEPS = 1
_TC2_OFF = _SC_N // _TC2_BLK
assert _SC_N + _TC2_STEPS * _TC2_BLK == _TC1_OFF * _TC1_BLK
assert (_TC1_OFF + _TC1_STEPS) * _TC1_BLK == _N


def _sc_body(outs_hbm, targs_hbm, out_hbm, obuf, tbuf, accs_vm, dsem):
    cid = lax.axis_index("c")
    sid = lax.axis_index("s")
    wid = cid * _NS + sid
    base = wid * _PER_W

    def issue(c):
        b = c % _NBUF
        off = base + c * _CHUNK
        h_o = pltpu.async_copy(outs_hbm.at[pl.ds(off, _CHUNK)], obuf.at[b],
                               dsem.at[b])
        h_t = pltpu.async_copy(targs_hbm.at[pl.ds(off, _CHUNK)], tbuf.at[b],
                               dsem.at[b])
        return h_o, h_t

    def compute(o_ref, t_ref, accs):
        def vec_body(i, accs):
            new = []
            for u in range(_UNROLL):
                sl = pl.ds(i * (_L * _UNROLL) + u * _L, _L)
                o = o_ref[sl]
                t = t_ref[sl]
                d = jnp.abs(o - t)
                new.append(accs[u] + d * (1.0 + 2.0 * t))
            return tuple(new)

        return lax.fori_loop(0, _CHUNK // (_L * _UNROLL), vec_body, accs)

    accs = tuple(jnp.zeros((_L,), jnp.float32) for _ in range(_UNROLL))
    handles = issue(0)
    for c in range(_NCHUNK):
        next_handles = issue(c + 1) if c + 1 < _NCHUNK else None
        handles[0].wait()
        handles[1].wait()
        b = c % _NBUF
        accs = compute(obuf.at[b], tbuf.at[b], accs)
        handles = next_handles

    a = list(accs)
    while len(a) > 1:
        a = [a[i] + a[i + 1] for i in range(0, len(a), 2)]
    acc = a[0]

    accs_vm[...] = acc
    pltpu.sync_copy(accs_vm, out_hbm.at[wid])


_sc_loss = functools.partial(
    pl.kernel,
    out_type=jax.ShapeDtypeStruct((_NW, _L), jnp.float32),
    mesh=plsc.VectorSubcoreMesh(core_axis_name="c", subcore_axis_name="s",
                                num_cores=_NC, num_subcores=_NS),
    scratch_types=[
        pltpu.VMEM((_NBUF, _CHUNK), jnp.float32),
        pltpu.VMEM((_NBUF, _CHUNK), jnp.float32),
        pltpu.VMEM((_L,), jnp.float32),
        pltpu.SemaphoreType.DMA((_NBUF,)),
    ],
)(_sc_body)


def _tc1_body(o_ref, t_ref, out_ref, acc_ref):
    i = pl.program_id(0)

    @pl.when(i == 0)
    def _():
        acc_ref[...] = jnp.zeros_like(acc_ref)

    o = o_ref[...]
    t = t_ref[...]
    d = jnp.abs(o - t) * (1.0 + 2.0 * t)
    acc_ref[...] += jnp.sum(d.reshape(-1, 8, 128), axis=0)

    @pl.when(i == _TC1_STEPS - 1)
    def _():
        out_ref[0, 0] = jnp.sum(acc_ref[...])


_tc1_loss = pl.pallas_call(
    _tc1_body,
    grid=(_TC1_STEPS,),
    in_specs=[
        pl.BlockSpec((_TC1_BLK,), lambda i: (i + _TC1_OFF,)),
        pl.BlockSpec((_TC1_BLK,), lambda i: (i + _TC1_OFF,)),
    ],
    out_specs=pl.BlockSpec(memory_space=pltpu.SMEM),
    out_shape=jax.ShapeDtypeStruct((1, 1), jnp.float32),
    scratch_shapes=[pltpu.VMEM((8, 128), jnp.float32)],
)


def _tc2_body(o_ref, t_ref, sc_ref, tc1_ref, out_ref, acc_ref):
    i = pl.program_id(0)

    @pl.when(i == 0)
    def _():
        acc_ref[...] = jnp.zeros_like(acc_ref)

    o = o_ref[...]
    t = t_ref[...]
    d = jnp.abs(o - t) * (1.0 + 2.0 * t)
    acc_ref[...] += jnp.sum(d.reshape(-1, 8, 128), axis=0)

    @pl.when(i == _TC2_STEPS - 1)
    def _():
        out_ref[0, 0] = (jnp.sum(acc_ref[...]) + jnp.sum(sc_ref[...])
                         + tc1_ref[0, 0])


_tc2_loss = pl.pallas_call(
    _tc2_body,
    grid=(_TC2_STEPS,),
    in_specs=[
        pl.BlockSpec((_TC2_BLK,), lambda i: (i + _TC2_OFF,)),
        pl.BlockSpec((_TC2_BLK,), lambda i: (i + _TC2_OFF,)),
        pl.BlockSpec((_NW, _L), lambda i: (0, 0)),
        pl.BlockSpec(memory_space=pltpu.SMEM),
    ],
    out_specs=pl.BlockSpec(memory_space=pltpu.SMEM),
    out_shape=jax.ShapeDtypeStruct((1, 1), jnp.float32),
    scratch_shapes=[pltpu.VMEM((8, 128), jnp.float32)],
)


@jax.jit
def kernel(outs, targets):
    sc_out = _sc_loss(outs, targets)
    tc1_out = _tc1_loss(outs, targets)
    final = _tc2_loss(outs, targets, sc_out, tc1_out)
    return final[0, 0]

# --- scband reference (transcript-rebuilt; emitter-appended) ---
"""Pipeline reference for scband-rgcnpool-loss-10909216931868 (READ-ONLY COPY).

The authoritative reference and input builder live on the scoring server;
editing this copy changes nothing except your own understanding.
"""

import jax, jax.numpy as jnp
import numpy as np

N = 2097152

def setup_inputs(seed: int = 0) -> dict:
    key = jax.random.key(seed)
    k1, k2 = jax.random.split(key)
    outs = jax.random.normal(k1, (N,), dtype=jnp.float32)
    targets = jax.random.randint(k2, (N,), 0, 2).astype(jnp.float32)
    return {"outs": outs, "targets": targets}

def reference(outs, targets):
    # mask = positions (dim 0) where targets == 1 (fixed-shape boolean mask)
    mask = targets == 1
    # nn.L1Loss(reduction='none') -> elementwise absolute difference
    l1_loss = jnp.abs(outs - targets)
    # sum of all L1 + extra 2x weight on positions where target == 1 (via masked sum)
    return jnp.sum(l1_loss) + jnp.sum(jnp.where(mask, l1_loss * 2, jnp.zeros_like(l1_loss)))

if __name__ == "__main__":
    import jax
    _d = setup_inputs()
    print(jax.jit(kernel)(*tuple(_d.values())))

</pallas_src>

<mosaic_0001>
#map = affine_map<(d0, d1) -> (0)>
#map1 = affine_map<(d0, d1) -> (0, 0)>
module attributes {stable_mosaic.version = 14 : i64} {
  func.func @_sc_body(%arg0: i32, %arg1: i32, %arg2: memref<2097152xf32, #tpu.memory_space<hbm>>, %arg3: memref<2097152xf32, #tpu.memory_space<hbm>>, %arg4: memref<32x16xf32, #tpu.memory_space<hbm>>, %arg5: memref<2x4096xf32, #tpu.memory_space<vmem>>, %arg6: memref<2x4096xf32, #tpu.memory_space<vmem>>, %arg7: memref<16xf32, #tpu.memory_space<vmem>>, %arg8: memref<2x!tpu.dma_semaphore, #tpu.memory_space<semaphore_mem>>) attributes {dimension_semantics = [#tpu.dimension_semantics<core_parallel>, #tpu.dimension_semantics<subcore_parallel>], iteration_bounds = array<i64: 2, 16>, scalar_prefetch = 0 : i64, scratch_operands = 4 : i64, tpu.core_type = #tpu.core_type<sc_vector_subcore>, window_params = [{transform_indices = #map}, {transform_indices = #map}, {transform_indices = #map1}]} {
    %mul3A = arith.constant 16 : i32
    %mul3A_0 = arith.muli %arg0, %mul3A : i32
    %add3A = arith.addi %mul3A_0, %arg1 : i32
    %mul3A_1 = arith.constant 8192 : i32
    %mul3A_2 = arith.muli %add3A, %mul3A_1 : i32
    %broadcast_in_dim3A = arith.constant 0.000000e+00 : f32
    %broadcast_in_dim3A_3 = vector.broadcast %broadcast_in_dim3A : f32 to vector<16xf32>
    %broadcast_in_dim3A_4 = arith.constant 0.000000e+00 : f32
    %broadcast_in_dim3A_5 = vector.broadcast %broadcast_in_dim3A_4 : f32 to vector<16xf32>
    %broadcast_in_dim3A_6 = arith.constant 0.000000e+00 : f32
    %broadcast_in_dim3A_7 = vector.broadcast %broadcast_in_dim3A_6 : f32 to vector<16xf32>
    %broadcast_in_dim3A_8 = arith.constant 0.000000e+00 : f32
    %broadcast_in_dim3A_9 = vector.broadcast %broadcast_in_dim3A_8 : f32 to vector<16xf32>
    %add3A_10 = arith.constant 0 : i32
    %add3A_11 = arith.addi %mul3A_2, %add3A_10 : i32
    %dma_start3A = arith.constant 0 : i32
    %dma_start3A_12 = arith.constant 0 : i32
    %dma_start3A_13 = arith.constant 0 : i32
    %dma_start3A_14 = tpu.memref_slice %arg5[%dma_start3A, %dma_start3A_13] : memref<2x4096xf32, #tpu.memory_space<vmem>> -> memref<1x4096xf32, #tpu.memory_space<vmem>>
    %dma_start3A_15 = tpu.memref_squeeze %dma_start3A_14 : memref<1x4096xf32, #tpu.memory_space<vmem>> -> memref<4096xf32, #tpu.memory_space<vmem>>
    %dma_start3A_16 = tpu.memref_slice %arg2[%add3A_11] : memref<2097152xf32, #tpu.memory_space<hbm>> -> memref<4096xf32, #tpu.memory_space<hbm>>
    %dma_start3A_17 = tpu.memref_slice %arg8[%dma_start3A_12] : memref<2x!tpu.dma_semaphore, #tpu.memory_space<semaphore_mem>> -> memref<1x!tpu.dma_semaphore, #tpu.memory_space<semaphore_mem>>
    %dma_start3A_18 = tpu.memref_squeeze %dma_start3A_17 : memref<1x!tpu.dma_semaphore, #tpu.memory_space<semaphore_mem>> -> memref<!tpu.dma_semaphore, #tpu.memory_space<semaphore_mem>>
    %dma_start3A_19 = arith.constant 0 : i32
    %dma_start3A_20 = tpu.memref_slice %arg5[%dma_start3A, %dma_start3A_19] : memref<2x4096xf32, #tpu.memory_space<vmem>> -> memref<1x4096xf32, #tpu.memory_space<vmem>>
    %dma_start3A_21 = tpu.memref_squeeze %dma_start3A_20 : memref<1x4096xf32, #tpu.memory_space<vmem>> -> memref<4096xf32, #tpu.memory_space<vmem>>
    %dma_start3A_22 = tpu.memref_slice %arg2[%add3A_11] : memref<2097152xf32, #tpu.memory_space<hbm>> -> memref<4096xf32, #tpu.memory_space<hbm>>
    tpu.enqueue_dma source(%dma_start3A_22 : memref<4096xf32, #tpu.memory_space<hbm>>) target(%dma_start3A_21 : memref<4096xf32, #tpu.memory_space<vmem>>) target_semaphore(%dma_start3A_18 : memref<!tpu.dma_semaphore, #tpu.memory_space<semaphore_mem>>)
    %dma_start3A_23 = arith.constant 0 : i32
    %dma_start3A_24 = arith.constant 0 : i32
    %dma_start3A_25 = arith.constant 0 : i32
    %dma_start3A_26 = tpu.memref_slice %arg6[%dma_start3A_23, %dma_start3A_25] : memref<2x4096xf32, #tpu.memory_space<vmem>> -> memref<1x4096xf32, #tpu.memory_space<vmem>>
    %dma_start3A_27 = tpu.memref_squeeze %dma_start3A_26 : memref<1x4096xf32, #tpu.memory_space<vmem>> -> memref<4096xf32, #tpu.memory_space<vmem>>
    %dma_start3A_28 = tpu.memref_slice %arg3[%add3A_11] : memref<2097152xf32, #tpu.memory_space<hbm>> -> memref<4096xf32, #tpu.memory_space<hbm>>
    %dma_start3A_29 = tpu.memref_slice %arg8[%dma_start3A_24] : memref<2x!tpu.dma_semaphore, #tpu.memory_space<semaphore_mem>> -> memref<1x!tpu.dma_semaphore, #tpu.memory_space<semaphore_mem>>
    %dma_start3A_30 = tpu.memref_squeeze %dma_start3A_29 : memref<1x!tpu.dma_semaphore, #tpu.memory_space<semaphore_mem>> -> memref<!tpu.dma_semaphore, #tpu.memory_space<semaphore_mem>>
    %dma_start3A_31 = arith.constant 0 : i32
    %dma_start3A_32 = tpu.memref_slice %arg6[%dma_start3A_23, %dma_start3A_31] : memref<2x4096xf32, #tpu.memory_space<vmem>> -> memref<1x4096xf32, #tpu.memory_space<vmem>>
    %dma_start3A_33 = tpu.memref_squeeze %dma_start3A_32 : memref<1x4096xf32, #tpu.memory_space<vmem>> -> memref<4096xf32, #tpu.memory_space<vmem>>
    %dma_start3A_34 = tpu.memref_slice %arg3[%add3A_11] : memref<2097152xf32, #tpu.memory_space<hbm>> -> memref<4096xf32, #tpu.memory_space<hbm>>
    tpu.enqueue_dma source(%dma_start3A_34 : memref<4096xf32, #tpu.memory_space<hbm>>) target(%dma_start3A_33 : memref<4096xf32, #tpu.memory_space<vmem>>) target_semaphore(%dma_start3A_30 : memref<!tpu.dma_semaphore, #tpu.memory_space<semaphore_mem>>)
    %add3A_35 = arith.constant 4096 : i32
    %add3A_36 = arith.addi %mul3A_2, %add3A_35 : i32
    %dma_start3A_37 = arith.constant 1 : i32
    %dma_start3A_38 = arith.constant 1 : i32
    %dma_start3A_39 = arith.constant 0 : i32
    %dma_start3A_40 = tpu.memref_slice %arg5[%dma_start3A_37, %dma_start3A_39] : memref<2x4096xf32, #tpu.memory_space<vmem>> -> memref<1x4096xf32, #tpu.memory_space<vmem>>
    %dma_start3A_41 = tpu.memref_squeeze %dma_start3A_40 : memref<1x4096xf32, #tpu.memory_space<vmem>> -> memref<4096xf32, #tpu.memory_space<vmem>>
    %dma_start3A_42 = tpu.memref_slice %arg2[%add3A_36] : memref<2097152xf32, #tpu.memory_space<hbm>> -> memref<4096xf32, #tpu.memory_space<hbm>>
    %dma_start3A_43 = tpu.memref_slice %arg8[%dma_start3A_38] : memref<2x!tpu.dma_semaphore, #tpu.memory_space<semaphore_mem>> -> memref<1x!tpu.dma_semaphore, #tpu.memory_space<semaphore_mem>>
    %dma_start3A_44 = tpu.memref_squeeze %dma_start3A_43 : memref<1x!tpu.dma_semaphore, #tpu.memory_space<semaphore_mem>> -> memref<!tpu.dma_semaphore, #tpu.memory_space<semaphore_mem>>
    %dma_start3A_45 = arith.constant 0 : i32
    %dma_start3A_46 = tpu.memref_slice %arg5[%dma_start3A_37, %dma_start3A_45] : memref<2x4096xf32, #tpu.memory_space<vmem>> -> memref<1x4096xf32, #tpu.memory_space<vmem>>
    %dma_start3A_47 = tpu.memref_squeeze %dma_start3A_46 : memref<1x4096xf32, #tpu.memory_space<vmem>> -> memref<4096xf32, #tpu.memory_space<vmem>>
    %dma_start3A_48 = tpu.memref_slice %arg2[%add3A_36] : memref<2097152xf32, #tpu.memory_space<hbm>> -> memref<4096xf32, #tpu.memory_space<hbm>>
    tpu.enqueue_dma source(%dma_start3A_48 : memref<4096xf32, #tpu.memory_space<hbm>>) target(%dma_start3A_47 : memref<4096xf32, #tpu.memory_space<vmem>>) target_semaphore(%dma_start3A_44 : memref<!tpu.dma_semaphore, #tpu.memory_space<semaphore_mem>>)
    %dma_start3A_49 = arith.constant 1 : i32
    %dma_start3A_50 = arith.constant 1 : i32
    %dma_start3A_51 = arith.constant 0 : i32
    %dma_start3A_52 = tpu.memref_slice %arg6[%dma_start3A_49, %dma_start3A_51] : memref<2x4096xf32, #tpu.memory_space<vmem>> -> memref<1x4096xf32, #tpu.memory_space<vmem>>
    %dma_start3A_53 = tpu.memref_squeeze %dma_start3A_52 : memref<1x4096xf32, #tpu.memory_space<vmem>> -> memref<4096xf32, #tpu.memory_space<vmem>>
    %dma_start3A_54 = tpu.memref_slice %arg3[%add3A_36] : memref<2097152xf32, #tpu.memory_space<hbm>> -> memref<4096xf32, #tpu.memory_space<hbm>>
    %dma_start3A_55 = tpu.memref_slice %arg8[%dma_start3A_50] : memref<2x!tpu.dma_semaphore, #tpu.memory_space<semaphore_mem>> -> memref<1x!tpu.dma_semaphore, #tpu.memory_space<semaphore_mem>>
    %dma_start3A_56 = tpu.memref_squeeze %dma_start3A_55 : memref<1x!tpu.dma_semaphore, #tpu.memory_space<semaphore_mem>> -> memref<!tpu.dma_semaphore, #tpu.memory_space<semaphore_mem>>
    %dma_start3A_57 = arith.constant 0 : i32
    %dma_start3A_58 = tpu.memref_slice %arg6[%dma_start3A_49, %dma_start3A_57] : memref<2x4096xf32, #tpu.memory_space<vmem>> -> memref<1x4096xf32, #tpu.memory_space<vmem>>
    %dma_start3A_59 = tpu.memref_squeeze %dma_start3A_58 : memref<1x4096xf32, #tpu.memory_space<vmem>> -> memref<4096xf32, #tpu.memory_space<vmem>>
    %dma_start3A_60 = tpu.memref_slice %arg3[%add3A_36] : memref<2097152xf32, #tpu.memory_space<hbm>> -> memref<4096xf32, #tpu.memory_space<hbm>>
    tpu.enqueue_dma source(%dma_start3A_60 : memref<4096xf32, #tpu.memory_space<hbm>>) target(%dma_start3A_59 : memref<4096xf32, #tpu.memory_space<vmem>>) target_semaphore(%dma_start3A_56 : memref<!tpu.dma_semaphore, #tpu.memory_space<semaphore_mem>>)
    %dma_wait3A = arith.constant 0 : i32
    %dma_wait3A_61 = arith.constant 0 : i32
    %dma_wait3A_62 = arith.constant 0 : i32
    %dma_wait3A_63 = tpu.memref_slice %arg5[%dma_wait3A, %dma_wait3A_62] : memref<2x4096xf32, #tpu.memory_space<vmem>> -> memref<1x4096xf32, #tpu.memory_space<vmem>>
    %dma_wait3A_64 = tpu.memref_squeeze %dma_wait3A_63 : memref<1x4096xf32, #tpu.memory_space<vmem>> -> memref<4096xf32, #tpu.memory_space<vmem>>
    %dma_wait3A_65 = tpu.memref_slice %arg2[%add3A_11] : memref<2097152xf32, #tpu.memory_space<hbm>> -> memref<4096xf32, #tpu.memory_space<hbm>>
    %dma_wait3A_66 = tpu.memref_slice %arg8[%dma_wait3A_61] : memref<2x!tpu.dma_semaphore, #tpu.memory_space<semaphore_mem>> -> memref<1x!tpu.dma_semaphore, #tpu.memory_space<semaphore_mem>>
    %dma_wait3A_67 = tpu.memref_squeeze %dma_wait3A_66 : memref<1x!tpu.dma_semaphore, #tpu.memory_space<semaphore_mem>> -> memref<!tpu.dma_semaphore, #tpu.memory_space<semaphore_mem>>
    %dma_wait3A_68 = arith.constant 0 : i32
    %dma_wait3A_69 = tpu.memref_slice %arg5[%dma_wait3A, %dma_wait3A_68] : memref<2x4096xf32, #tpu.memory_space<vmem>> -> memref<1x4096xf32, #tpu.memory_space<vmem>>
    %dma_wait3A_70 = tpu.memref_squeeze %dma_wait3A_69 : memref<1x4096xf32, #tpu.memory_space<vmem>> -> memref<4096xf32, #tpu.memory_space<vmem>>
    %dma_wait3A_71 = tpu.memref_slice %arg2[%add3A_11] : memref<2097152xf32, #tpu.memory_space<hbm>> -> memref<4096xf32, #tpu.memory_space<hbm>>
    tpu.wait_dma2 semaphore(%dma_wait3A_67 : memref<!tpu.dma_semaphore, #tpu.memory_space<semaphore_mem>>) src(%dma_wait3A_71 : memref<4096xf32, #tpu.memory_space<hbm>>) dst(%dma_wait3A_70 : memref<4096xf32, #tpu.memory_space<vmem>>)
    %dma_wait3A_72 = arith.constant 0 : i32
    %dma_wait3A_73 = arith.constant 0 : i32
    %dma_wait3A_74 = arith.constant 0 : i32
    %dma_wait3A_75 = tpu.memref_slice %arg6[%dma_wait3A_72, %dma_wait3A_74] : memref<2x4096xf32, #tpu.memory_space<vmem>> -> memref<1x4096xf32, #tpu.memory_space<vmem>>
    %dma_wait3A_76 = tpu.memref_squeeze %dma_wait3A_75 : memref<1x4096xf32, #tpu.memory_space<vmem>> -> memref<4096xf32, #tpu.memory_space<vmem>>
    %dma_wait3A_77 = tpu.memref_slice %arg3[%add3A_11] : memref<2097152xf32, #tpu.memory_space<hbm>> -> memref<4096xf32, #tpu.memory_space<hbm>>
    %dma_wait3A_78 = tpu.memref_slice %arg8[%dma_wait3A_73] : memref<2x!tpu.dma_semaphore, #tpu.memory_space<semaphore_mem>> -> memref<1x!tpu.dma_semaphore, #tpu.memory_space<semaphore_mem>>
    %dma_wait3A_79 = tpu.memref_squeeze %dma_wait3A_78 : memref<1x!tpu.dma_semaphore, #tpu.memory_space<semaphore_mem>> -> memref<!tpu.dma_semaphore, #tpu.memory_space<semaphore_mem>>
    %dma_wait3A_80 = arith.constant 0 : i32
    %dma_wait3A_81 = tpu.memref_slice %arg6[%dma_wait3A_72, %dma_wait3A_80] : memref<2x4096xf32, #tpu.memory_space<vmem>> -> memref<1x4096xf32, #tpu.memory_space<vmem>>
    %dma_wait3A_82 = tpu.memref_squeeze %dma_wait3A_81 : memref<1x4096xf32, #tpu.memory_space<vmem>> -> memref<4096xf32, #tpu.memory_space<vmem>>
    %dma_wait3A_83 = tpu.memref_slice %arg3[%add3A_11] : memref<2097152xf32, #tpu.memory_space<hbm>> -> memref<4096xf32, #tpu.memory_space<hbm>>
    tpu.wait_dma2 semaphore(%dma_wait3A_79 : memref<!tpu.dma_semaphore, #tpu.memory_space<semaphore_mem>>) src(%dma_wait3A_83 : memref<4096xf32, #tpu.memory_space<hbm>>) dst(%dma_wait3A_82 : memref<4096xf32, #tpu.memory_space<vmem>>)
    %scan3A = arith.constant 0 : i32
    %scan3A_84 = arith.constant 0 : i32
    %scan3A_85 = arith.constant 0 : i32
    %scan3A_86 = arith.constant 64 : i32
    %scan3A_87 = arith.addi %scan3A_85, %scan3A_86 : i32
    %scan3A_88 = arith.constant 1 : i32
    %scan3A_89:4 = scf.for %scan3A_129 = %scan3A_85 to %scan3A_87 step %scan3A_88 iter_args(%scan3A_130 = %broadcast_in_dim3A_3, %scan3A_131 = %broadcast_in_dim3A_5, %scan3A_132 = %broadcast_in_dim3A_7, %scan3A_133 = %broadcast_in_dim3A_9) -> (vector<16xf32>, vector<16xf32>, vector<16xf32>, vector<16xf32>)  : i32 {
      %mul3A_134 = arith.constant 64 : i32
      %mul3A_135 = arith.muli %scan3A_129, %mul3A_134 : i32
      %add3A_136 = arith.constant 0 : i32
      %add3A_137 = arith.addi %mul3A_135, %add3A_136 : i32
      %get3A = arith.constant 0 : i32
      %get3A_138 = tpu.memref_slice %arg5[%scan3A, %get3A] : memref<2x4096xf32, #tpu.memory_space<vmem>> -> memref<1x4096xf32, #tpu.memory_space<vmem>>
      %get3A_139 = tpu.memref_squeeze %get3A_138 : memref<1x4096xf32, #tpu.memory_space<vmem>> -> memref<4096xf32, #tpu.memory_space<vmem>>
      %get3A_140 = arith.index_cast %add3A_137 : i32 to index
      %get3A_141 = tpu.vector_load %get3A_139[%get3A_140] {strides = array<i32>} : memref<4096xf32, #tpu.memory_space<vmem>>, vector<16xf32>,
      %get3A_142 = vector.shape_cast %get3A_141 : vector<16xf32> to vector<16xf32>
      %get3A_143 = arith.constant 0 : i32
      %get3A_144 = tpu.memref_slice %arg6[%scan3A_84, %get3A_143] : memref<2x4096xf32, #tpu.memory_space<vmem>> -> memref<1x4096xf32, #tpu.memory_space<vmem>>
      %get3A_145 = tpu.memref_squeeze %get3A_144 : memref<1x4096xf32, #tpu.memory_space<vmem>> -> memref<4096xf32, #tpu.memory_space<vmem>>
      %get3A_146 = arith.index_cast %add3A_137 : i32 to index
      %get3A_147 = tpu.vector_load %get3A_145[%get3A_146] {strides = array<i32>} : memref<4096xf32, #tpu.memory_space<vmem>>, vector<16xf32>,
      %get3A_148 = vector.shape_cast %get3A_147 : vector<16xf32> to vector<16xf32>
      %sub3A = arith.subf %get3A_142, %get3A_148 : vector<16xf32>
      %abs3A = math.absf %sub3A : vector<16xf32>
      %mul3A_149 = arith.constant 2.000000e+00 : f32
      %mul3A_150 = vector.broadcast %mul3A_149 : f32 to vector<16xf32>
      %mul3A_151 = arith.mulf %mul3A_150, %get3A_148 : vector<16xf32>
      %add3A_152 = arith.constant 1.000000e+00 : f32
      %add3A_153 = vector.broadcast %add3A_152 : f32 to vector<16xf32>
      %add3A_154 = arith.addf %add3A_153, %mul3A_151 : vector<16xf32>
      %mul3A_155 = arith.mulf %abs3A, %add3A_154 : vector<16xf32>
      %add3A_156 = arith.addf %scan3A_130, %mul3A_155 : vector<16xf32>
      %mul3A_157 = arith.constant 64 : i32
      %mul3A_158 = arith.muli %scan3A_129, %mul3A_157 : i32
      %add3A_159 = arith.constant 16 : i32
      %add3A_160 = arith.addi %mul3A_158, %add3A_159 : i32
      %get3A_161 = arith.constant 0 : i32
      %get3A_162 = tpu.memref_slice %arg5[%scan3A, %get3A_161] : memref<2x4096xf32, #tpu.memory_space<vmem>> -> memref<1x4096xf32, #tpu.memory_space<vmem>>
      %get3A_163 = tpu.memref_squeeze %get3A_162 : memref<1x4096xf32, #tpu.memory_space<vmem>> -> memref<4096xf32, #tpu.memory_space<vmem>>
      %get3A_164 = arith.index_cast %add3A_160 : i32 to index
      %get3A_165 = tpu.vector_load %get3A_163[%get3A_164] {strides = array<i32>} : memref<4096xf32, #tpu.memory_space<vmem>>, vector<16xf32>,
      %get3A_166 = vector.shape_cast %get3A_165 : vector<16xf32> to vector<16xf32>
      %get3A_167 = arith.constant 0 : i32
      %get3A_168 = tpu.memref_slice %arg6[%scan3A_84, %get3A_167] : memref<2x4096xf32, #tpu.memory_space<vmem>> -> memref<1x4096xf32, #tpu.memory_space<vmem>>
      %get3A_169 = tpu.memref_squeeze %get3A_168 : memref<1x4096xf32, #tpu.memory_space<vmem>> -> memref<4096xf32, #tpu.memory_space<vmem>>
      %get3A_170 = arith.index_cast %add3A_160 : i32 to index
      %get3A_171 = tpu.vector_load %get3A_169[%get3A_170] {strides = array<i32>} : memref<4096xf32, #tpu.memory_space<vmem>>, vector<16xf32>,
      %get3A_172 = vector.shape_cast %get3A_171 : vector<16xf32> to vector<16xf32>
      %sub3A_173 = arith.subf %get3A_166, %get3A_172 : vector<16xf32>
      %abs3A_174 = math.absf %sub3A_173 : vector<16xf32>
      %mul3A_175 = arith.constant 2.000000e+00 : f32
      %mul3A_176 = vector.broadcast %mul3A_175 : f32 to vector<16xf32>
      %mul3A_177 = arith.mulf %mul3A_176, %get3A_172 : vector<16xf32>
      %add3A_178 = arith.constant 1.000000e+00 : f32
      %add3A_179 = vector.broadcast %add3A_178 : f32 to vector<16xf32>
      %add3A_180 = arith.addf %add3A_179, %mul3A_177 : vector<16xf32>
      %mul3A_181 = arith.mulf %abs3A_174, %add3A_180 : vector<16xf32>
      %add3A_182 = arith.addf %scan3A_131, %mul3A_181 : vector<16xf32>
      %mul3A_183 = arith.constant 64 : i32
      %mul3A_184 = arith.muli %scan3A_129, %mul3A_183 : i32
      %add3A_185 = arith.constant 32 : i32
      %add3A_186 = arith.addi %mul3A_184, %add3A_185 : i32
      %get3A_187 = arith.constant 0 : i32
      %get3A_188 = tpu.memref_slice %arg5[%scan3A, %get3A_187] : memref<2x4096xf32, #tpu.memory_space<vmem>> -> memref<1x4096xf32, #tpu.memory_space<vmem>>
      %get3A_189 = tpu.memref_squeeze %get3A_188 : memref<1x4096xf32, #tpu.memory_space<vmem>> -> memref<4096xf32, #tpu.memory_space<vmem>>
      %get3A_190 = arith.index_cast %add3A_186 : i32 to index
      %get3A_191 = tpu.vector_load %get3A_189[%get3A_190] {strides = array<i32>} : memref<4096xf32, #tpu.memory_space<vmem>>, vector<16xf32>,
      %get3A_192 = vector.shape_cast %get3A_191 : vector<16xf32> to vector<16xf32>
      %get3A_193 = arith.constant 0 : i32
      %get3A_194 = tpu.memref_slice %arg6[%scan3A_84, %get3A_193] : memref<2x4096xf32, #tpu.memory_space<vmem>> -> memref<1x4096xf32, #tpu.memory_space<vmem>>
      %get3A_195 = tpu.memref_squeeze %get3A_194 : memref<1x4096xf32, #tpu.memory_space<vmem>> -> memref<4096xf32, #tpu.memory_space<vmem>>
      %get3A_196 = arith.index_cast %add3A_186 : i32 to index
      %get3A_197 = tpu.vector_load %get3A_195[%get3A_196] {strides = array<i32>} : memref<4096xf32, #tpu.memory_space<vmem>>, vector<16xf32>,
      %get3A_198 = vector.shape_cast %get3A_197 : vector<16xf32> to vector<16xf32>
      %sub3A_199 = arith.subf %get3A_192, %get3A_198 : vector<16xf32>
      %abs3A_200 = math.absf %sub3A_199 : vector<16xf32>
      %mul3A_201 = arith.constant 2.000000e+00 : f32
      %mul3A_202 = vector.broadcast %mul3A_201 : f32 to vector<16xf32>
      %mul3A_203 = arith.mulf %mul3A_202, %get3A_198 : vector<16xf32>
      %add3A_204 = arith.constant 1.000000e+00 : f32
      %add3A_205 = vector.broadcast %add3A_204 : f32 to vector<16xf32>
      %add3A_206 = arith.addf %add3A_205, %mul3A_203 : vector<16xf32>
      %mul3A_207 = arith.mulf %abs3A_200, %add3A_206 : vector<16xf32>
      %add3A_208 = arith.addf %scan3A_132, %mul3A_207 : vector<16xf32>
      %mul3A_209 = arith.constant 64 : i32
      %mul3A_210 = arith.muli %scan3A_129, %mul3A_209 : i32
      %add3A_211 = arith.constant 48 : i32
      %add3A_212 = arith.addi %mul3A_210, %add3A_211 : i32
      %get3A_213 = arith.constant 0 : i32
      %get3A_214 = tpu.memref_slice %arg5[%scan3A, %get3A_213] : memref<2x4096xf32, #tpu.memory_space<vmem>> -> memref<1x4096xf32, #tpu.memory_space<vmem>>
      %get3A_215 = tpu.memref_squeeze %get3A_214 : memref<1x4096xf32, #tpu.memory_space<vmem>> -> memref<4096xf32, #tpu.memory_space<vmem>>
      %get3A_216 = arith.index_cast %add3A_212 : i32 to index
      %get3A_217 = tpu.vector_load %get3A_215[%get3A_216] {strides = array<i32>} : memref<4096xf32, #tpu.memory_space<vmem>>, vector<16xf32>,
      %get3A_218 = vector.shape_cast %get3A_217 : vector<16xf32> to vector<16xf32>
      %get3A_219 = arith.constant 0 : i32
      %get3A_220 = tpu.memref_slice %arg6[%scan3A_84, %get3A_219] : memref<2x4096xf32, #tpu.memory_space<vmem>> -> memref<1x4096xf32, #tpu.memory_space<vmem>>
      %get3A_221 = tpu.memref_squeeze %get3A_220 : memref<1x4096xf32, #tpu.memory_space<vmem>> -> memref<4096xf32, #tpu.memory_space<vmem>>
      %get3A_222 = arith.index_cast %add3A_212 : i32 to index
      %get3A_223 = tpu.vector_load %get3A_221[%get3A_222] {strides = array<i32>} : memref<4096xf32, #tpu.memory_space<vmem>>, vector<16xf32>,
      %get3A_224 = vector.shape_cast %get3A_223 : vector<16xf32> to vector<16xf32>
      %sub3A_225 = arith.subf %get3A_218, %get3A_224 : vector<16xf32>
      %abs3A_226 = math.absf %sub3A_225 : vector<16xf32>
      %mul3A_227 = arith.constant 2.000000e+00 : f32
      %mul3A_228 = vector.broadcast %mul3A_227 : f32 to vector<16xf32>
      %mul3A_229 = arith.mulf %mul3A_228, %get3A_224 : vector<16xf32>
      %add3A_230 = arith.constant 1.000000e+00 : f32
      %add3A_231 = vector.broadcast %add3A_230 : f32 to vector<16xf32>
      %add3A_232 = arith.addf %add3A_231, %mul3A_229 : vector<16xf32>
      %mul3A_233 = arith.mulf %abs3A_226, %add3A_232 : vector<16xf32>
      %add3A_234 = arith.addf %scan3A_133, %mul3A_233 : vector<16xf32>
      scf.yield %add3A_156, %add3A_182, %add3A_208, %add3A_234 : vector<16xf32>, vector<16xf32>, vector<16xf32>, vector<16xf32>
    }
    %scan3A_90 = arith.constant 64 : i32
    %dma_wait3A_91 = arith.constant 1 : i32
    %dma_wait3A_92 = arith.constant 1 : i32
    %dma_wait3A_93 = arith.constant 0 : i32
    %dma_wait3A_94 = tpu.memref_slice %arg5[%dma_wait3A_91, %dma_wait3A_93] : memref<2x4096xf32, #tpu.memory_space<vmem>> -> memref<1x4096xf32, #tpu.memory_space<vmem>>
    %dma_wait3A_95 = tpu.memref_squeeze %dma_wait3A_94 : memref<1x4096xf32, #tpu.memory_space<vmem>> -> memref<4096xf32, #tpu.memory_space<vmem>>
    %dma_wait3A_96 = tpu.memref_slice %arg2[%add3A_36] : memref<2097152xf32, #tpu.memory_space<hbm>> -> memref<4096xf32, #tpu.memory_space<hbm>>
    %dma_wait3A_97 = tpu.memref_slice %arg8[%dma_wait3A_92] : memref<2x!tpu.dma_semaphore, #tpu.memory_space<semaphore_mem>> -> memref<1x!tpu.dma_semaphore, #tpu.memory_space<semaphore_mem>>
    %dma_wait3A_98 = tpu.memref_squeeze %dma_wait3A_97 : memref<1x!tpu.dma_semaphore, #tpu.memory_space<semaphore_mem>> -> memref<!tpu.dma_semaphore, #tpu.memory_space<semaphore_mem>>
    %dma_wait3A_99 = arith.constant 0 : i32
    %dma_wait3A_100 = tpu.memref_slice %arg5[%dma_wait3A_91, %dma_wait3A_99] : memref<2x4096xf32, #tpu.memory_space<vmem>> -> memref<1x4096xf32, #tpu.memory_space<vmem>>
    %dma_wait3A_101 = tpu.memref_squeeze %dma_wait3A_100 : memref<1x4096xf32, #tpu.memory_space<vmem>> -> memref<4096xf32, #tpu.memory_space<vmem>>
    %dma_wait3A_102 = tpu.memref_slice %arg2[%add3A_36] : memref<2097152xf32, #tpu.memory_space<hbm>> -> memref<4096xf32, #tpu.memory_space<hbm>>
    tpu.wait_dma2 semaphore(%dma_wait3A_98 : memref<!tpu.dma_semaphore, #tpu.memory_space<semaphore_mem>>) src(%dma_wait3A_102 : memref<4096xf32, #tpu.memory_space<hbm>>) dst(%dma_wait3A_101 : memref<4096xf32, #tpu.memory_space<vmem>>)
    %dma_wait3A_103 = arith.constant 1 : i32
    %dma_wait3A_104 = arith.constant 1 : i32
    %dma_wait3A_105 = arith.constant 0 : i32
    %dma_wait3A_106 = tpu.memref_slice %arg6[%dma_wait3A_103, %dma_wait3A_105] : memref<2x4096xf32, #tpu.memory_space<vmem>> -> memref<1x4096xf32, #tpu.memory_space<vmem>>
    %dma_wait3A_107 = tpu.memref_squeeze %dma_wait3A_106 : memref<1x4096xf32, #tpu.memory_space<vmem>> -> memref<4096xf32, #tpu.memory_space<vmem>>
    %dma_wait3A_108 = tpu.memref_slice %arg3[%add3A_36] : memref<2097152xf32, #tpu.memory_space<hbm>> -> memref<4096xf32, #tpu.memory_space<hbm>>
    %dma_wait3A_109 = tpu.memref_slice %arg8[%dma_wait3A_104] : memref<2x!tpu.dma_semaphore, #tpu.memory_space<semaphore_mem>> -> memref<1x!tpu.dma_semaphore, #tpu.memory_space<semaphore_mem>>
    %dma_wait3A_110 = tpu.memref_squeeze %dma_wait3A_109 : memref<1x!tpu.dma_semaphore, #tpu.memory_space<semaphore_mem>> -> memref<!tpu.dma_semaphore, #tpu.memory_space<semaphore_mem>>
    %dma_wait3A_111 = arith.constant 0 : i32
    %dma_wait3A_112 = tpu.memref_slice %arg6[%dma_wait3A_103, %dma_wait3A_111] : memref<2x4096xf32, #tpu.memory_space<vmem>> -> memref<1x4096xf32, #tpu.memory_space<vmem>>
    %dma_wait3A_113 = tpu.memref_squeeze %dma_wait3A_112 : memref<1x4096xf32, #tpu.memory_space<vmem>> -> memref<4096xf32, #tpu.memory_space<vmem>>
    %dma_wait3A_114 = tpu.memref_slice %arg3[%add3A_36] : memref<2097152xf32, #tpu.memory_space<hbm>> -> memref<4096xf32, #tpu.memory_space<hbm>>
    tpu.wait_dma2 semaphore(%dma_wait3A_110 : memref<!tpu.dma_semaphore, #tpu.memory_space<semaphore_mem>>) src(%dma_wait3A_114 : memref<4096xf32, #tpu.memory_space<hbm>>) dst(%dma_wait3A_113 : memref<4096xf32, #tpu.memory_space<vmem>>)
    %scan3A_115 = arith.constant 1 : i32
    %scan3A_116 = arith.constant 1 : i32
    %scan3A_117 = arith.constant 0 : i32
    %scan3A_118 = arith.constant 64 : i32
    %scan3A_119 = arith.addi %scan3A_117, %scan3A_118 : i32
    %scan3A_120 = arith.constant 1 : i32
    %scan3A_121:4 = scf.for %scan3A_129 = %scan3A_117 to %scan3A_119 step %scan3A_120 iter_args(%scan3A_130 = %scan3A_89#0, %scan3A_131 = %scan3A_89#1, %scan3A_132 = %scan3A_89#2, %scan3A_133 = %scan3A_89#3) -> (vector<16xf32>, vector<16xf32>, vector<16xf32>, vector<16xf32>)  : i32 {
      %mul3A_134 = arith.constant 64 : i32
      %mul3A_135 = arith.muli %scan3A_129, %mul3A_134 : i32
      %add3A_136 = arith.constant 0 : i32
      %add3A_137 = arith.addi %mul3A_135, %add3A_136 : i32
      %get3A = arith.constant 0 : i32
      %get3A_138 = tpu.memref_slice %arg5[%scan3A_115, %get3A] : memref<2x4096xf32, #tpu.memory_space<vmem>> -> memref<1x4096xf32, #tpu.memory_space<vmem>>
      %get3A_139 = tpu.memref_squeeze %get3A_138 : memref<1x4096xf32, #tpu.memory_space<vmem>> -> memref<4096xf32, #tpu.memory_space<vmem>>
      %get3A_140 = arith.index_cast %add3A_137 : i32 to index
      %get3A_141 = tpu.vector_load %get3A_139[%get3A_140] {strides = array<i32>} : memref<4096xf32, #tpu.memory_space<vmem>>, vector<16xf32>,
      %get3A_142 = vector.shape_cast %get3A_141 : vector<16xf32> to vector<16xf32>
      %get3A_143 = arith.constant 0 : i32
      %get3A_144 = tpu.memref_slice %arg6[%scan3A_116, %get3A_143] : memref<2x4096xf32, #tpu.memory_space<vmem>> -> memref<1x4096xf32, #tpu.memory_space<vmem>>
      %get3A_145 = tpu.memref_squeeze %get3A_144 : memref<1x4096xf32, #tpu.memory_space<vmem>> -> memref<4096xf32, #tpu.memory_space<vmem>>
      %get3A_146 = arith.index_cast %add3A_137 : i32 to index
      %get3A_147 = tpu.vector_load %get3A_145[%get3A_146] {strides = array<i32>} : memref<4096xf32, #tpu.memory_space<vmem>>, vector<16xf32>,
      %get3A_148 = vector.shape_cast %get3A_147 : vector<16xf32> to vector<16xf32>
      %sub3A = arith.subf %get3A_142, %get3A_148 : vector<16xf32>
      %abs3A = math.absf %sub3A : vector<16xf32>
      %mul3A_149 = arith.constant 2.000000e+00 : f32
      %mul3A_150 = vector.broadcast %mul3A_149 : f32 to vector<16xf32>
      %mul3A_151 = arith.mulf %mul3A_150, %get3A_148 : vector<16xf32>
      %add3A_152 = arith.constant 1.000000e+00 : f32
      %add3A_153 = vector.broadcast %add3A_152 : f32 to vector<16xf32>
      %add3A_154 = arith.addf %add3A_153, %mul3A_151 : vector<16xf32>
      %mul3A_155 = arith.mulf %abs3A, %add3A_154 : vector<16xf32>
      %add3A_156 = arith.addf %scan3A_130, %mul3A_155 : vector<16xf32>
      %mul3A_157 = arith.constant 64 : i32
      %mul3A_158 = arith.muli %scan3A_129, %mul3A_157 : i32
      %add3A_159 = arith.constant 16 : i32
      %add3A_160 = arith.addi %mul3A_158, %add3A_159 : i32
      %get3A_161 = arith.constant 0 : i32
      %get3A_162 = tpu.memref_slice %arg5[%scan3A_115, %get3A_161] : memref<2x4096xf32, #tpu.memory_space<vmem>> -> memref<1x4096xf32, #tpu.memory_space<vmem>>
      %get3A_163 = tpu.memref_squeeze %get3A_162 : memref<1x4096xf32, #tpu.memory_space<vmem>> -> memref<4096xf32, #tpu.memory_space<vmem>>
      %get3A_164 = arith.index_cast %add3A_160 : i32 to index
      %get3A_165 = tpu.vector_load %get3A_163[%get3A_164] {strides = array<i32>} : memref<4096xf32, #tpu.memory_space<vmem>>, vector<16xf32>,
      %get3A_166 = vector.shape_cast %get3A_165 : vector<16xf32> to vector<16xf32>
      %get3A_167 = arith.constant 0 : i32
      %get3A_168 = tpu.memref_slice %arg6[%scan3A_116, %get3A_167] : memref<2x4096xf32, #tpu.memory_space<vmem>> -> memref<1x4096xf32, #tpu.memory_space<vmem>>
      %get3A_169 = tpu.memref_squeeze %get3A_168 : memref<1x4096xf32, #tpu.memory_space<vmem>> -> memref<4096xf32, #tpu.memory_space<vmem>>
      %get3A_170 = arith.index_cast %add3A_160 : i32 to index
      %get3A_171 = tpu.vector_load %get3A_169[%get3A_170] {strides = array<i32>} : memref<4096xf32, #tpu.memory_space<vmem>>, vector<16xf32>,
      %get3A_172 = vector.shape_cast %get3A_171 : vector<16xf32> to vector<16xf32>
      %sub3A_173 = arith.subf %get3A_166, %get3A_172 : vector<16xf32>
      %abs3A_174 = math.absf %sub3A_173 : vector<16xf32>
      %mul3A_175 = arith.constant 2.000000e+00 : f32
      %mul3A_176 = vector.broadcast %mul3A_175 : f32 to vector<16xf32>
      %mul3A_177 = arith.mulf %mul3A_176, %get3A_172 : vector<16xf32>
      %add3A_178 = arith.constant 1.000000e+00 : f32
      %add3A_179 = vector.broadcast %add3A_178 : f32 to vector<16xf32>
      %add3A_180 = arith.addf %add3A_179, %mul3A_177 : vector<16xf32>
      %mul3A_181 = arith.mulf %abs3A_174, %add3A_180 : vector<16xf32>
      %add3A_182 = arith.addf %scan3A_131, %mul3A_181 : vector<16xf32>
      %mul3A_183 = arith.constant 64 : i32
      %mul3A_184 = arith.muli %scan3A_129, %mul3A_183 : i32
      %add3A_185 = arith.constant 32 : i32
      %add3A_186 = arith.addi %mul3A_184, %add3A_185 : i32
      %get3A_187 = arith.constant 0 : i32
      %get3A_188 = tpu.memref_slice %arg5[%scan3A_115, %get3A_187] : memref<2x4096xf32, #tpu.memory_space<vmem>> -> memref<1x4096xf32, #tpu.memory_space<vmem>>
      %get3A_189 = tpu.memref_squeeze %get3A_188 : memref<1x4096xf32, #tpu.memory_space<vmem>> -> memref<4096xf32, #tpu.memory_space<vmem>>
      %get3A_190 = arith.index_cast %add3A_186 : i32 to index
      %get3A_191 = tpu.vector_load %get3A_189[%get3A_190] {strides = array<i32>} : memref<4096xf32, #tpu.memory_space<vmem>>, vector<16xf32>,
      %get3A_192 = vector.shape_cast %get3A_191 : vector<16xf32> to vector<16xf32>
      %get3A_193 = arith.constant 0 : i32
      %get3A_194 = tpu.memref_slice %arg6[%scan3A_116, %get3A_193] : memref<2x4096xf32, #tpu.memory_space<vmem>> -> memref<1x4096xf32, #tpu.memory_space<vmem>>
      %get3A_195 = tpu.memref_squeeze %get3A_194 : memref<1x4096xf32, #tpu.memory_space<vmem>> -> memref<4096xf32, #tpu.memory_space<vmem>>
      %get3A_196 = arith.index_cast %add3A_186 : i32 to index
      %get3A_197 = tpu.vector_load %get3A_195[%get3A_196] {strides = array<i32>} : memref<4096xf32, #tpu.memory_space<vmem>>, vector<16xf32>,
      %get3A_198 = vector.shape_cast %get3A_197 : vector<16xf32> to vector<16xf32>
      %sub3A_199 = arith.subf %get3A_192, %get3A_198 : vector<16xf32>
      %abs3A_200 = math.absf %sub3A_199 : vector<16xf32>
      %mul3A_201 = arith.constant 2.000000e+00 : f32
      %mul3A_202 = vector.broadcast %mul3A_201 : f32 to vector<16xf32>
      %mul3A_203 = arith.mulf %mul3A_202, %get3A_198 : vector<16xf32>
      %add3A_204 = arith.constant 1.000000e+00 : f32
      %add3A_205 = vector.broadcast %add3A_204 : f32 to vector<16xf32>
      %add3A_206 = arith.addf %add3A_205, %mul3A_203 : vector<16xf32>
      %mul3A_207 = arith.mulf %abs3A_200, %add3A_206 : vector<16xf32>
      %add3A_208 = arith.addf %scan3A_132, %mul3A_207 : vector<16xf32>
      %mul3A_209 = arith.constant 64 : i32
      %mul3A_210 = arith.muli %scan3A_129, %mul3A_209 : i32
      %add3A_211 = arith.constant 48 : i32
      %add3A_212 = arith.addi %mul3A_210, %add3A_211 : i32
      %get3A_213 = arith.constant 0 : i32
      %get3A_214 = tpu.memref_slice %arg5[%scan3A_115, %get3A_213] : memref<2x4096xf32, #tpu.memory_space<vmem>> -> memref<1x4096xf32, #tpu.memory_space<vmem>>
      %get3A_215 = tpu.memref_squeeze %get3A_214 : memref<1x4096xf32, #tpu.memory_space<vmem>> -> memref<4096xf32, #tpu.memory_space<vmem>>
      %get3A_216 = arith.index_cast %add3A_212 : i32 to index
      %get3A_217 = tpu.vector_load %get3A_215[%get3A_216] {strides = array<i32>} : memref<4096xf32, #tpu.memory_space<vmem>>, vector<16xf32>,
      %get3A_218 = vector.shape_cast %get3A_217 : vector<16xf32> to vector<16xf32>
      %get3A_219 = arith.constant 0 : i32
      %get3A_220 = tpu.memref_slice %arg6[%scan3A_116, %get3A_219] : memref<2x4096xf32, #tpu.memory_space<vmem>> -> memref<1x4096xf32, #tpu.memory_space<vmem>>
      %get3A_221 = tpu.memref_squeeze %get3A_220 : memref<1x4096xf32, #tpu.memory_space<vmem>> -> memref<4096xf32, #tpu.memory_space<vmem>>
      %get3A_222 = arith.index_cast %add3A_212 : i32 to index
      %get3A_223 = tpu.vector_load %get3A_221[%get3A_222] {strides = array<i32>} : memref<4096xf32, #tpu.memory_space<vmem>>, vector<16xf32>,
      %get3A_224 = vector.shape_cast %get3A_223 : vector<16xf32> to vector<16xf32>
      %sub3A_225 = arith.subf %get3A_218, %get3A_224 : vector<16xf32>
      %abs3A_226 = math.absf %sub3A_225 : vector<16xf32>
      %mul3A_227 = arith.constant 2.000000e+00 : f32
      %mul3A_228 = vector.broadcast %mul3A_227 : f32 to vector<16xf32>
      %mul3A_229 = arith.mulf %mul3A_228, %get3A_224 : vector<16xf32>
      %add3A_230 = arith.constant 1.000000e+00 : f32
      %add3A_231 = vector.broadcast %add3A_230 : f32 to vector<16xf32>
      %add3A_232 = arith.addf %add3A_231, %mul3A_229 : vector<16xf32>
      %mul3A_233 = arith.mulf %abs3A_226, %add3A_232 : vector<16xf32>
      %add3A_234 = arith.addf %scan3A_133, %mul3A_233 : vector<16xf32>
      scf.yield %add3A_156, %add3A_182, %add3A_208, %add3A_234 : vector<16xf32>, vector<16xf32>, vector<16xf32>, vector<16xf32>
    }
    %scan3A_122 = arith.constant 64 : i32
    %add3A_123 = arith.addf %scan3A_121#0, %scan3A_121#1 : vector<16xf32>
    %add3A_124 = arith.addf %scan3A_121#2, %scan3A_121#3 : vector<16xf32>
    %add3A_125 = arith.addf %add3A_123, %add3A_124 : vector<16xf32>
    %swap3A = arith.constant 0 : index
    %swap3A_126 = tpu.vector_load %arg7[%swap3A] {strides = array<i32>} : memref<16xf32, #tpu.memory_space<vmem>>, vector<16xf32>,
    %swap3A_127 = vector.shape_cast %swap3A_126 : vector<16xf32> to vector<16xf32>
    %swap3A_128 = vector.shape_cast %add3A_125 : vector<16xf32> to vector<16xf32>
    tpu.vector_store %arg7[%swap3A], %swap3A_128 {strides = array<i32>} : memref<16xf32, #tpu.memory_space<vmem>>, vector<16xf32>,
    "tpu.region"() ({
      %run_scoped3A = tpu.sem_alloc : memref<!tpu.dma_semaphore, #tpu.memory_space<semaphore_mem>>
      %dma_start3A_129 = arith.constant 0 : i32
      %dma_start3A_130 = tpu.memref_slice %arg4[%add3A, %dma_start3A_129] : memref<32x16xf32, #tpu.memory_space<hbm>> -> memref<1x16xf32, #tpu.memory_space<hbm>>
      %dma_start3A_131 = tpu.memref_squeeze %dma_start3A_130 : memref<1x16xf32, #tpu.memory_space<hbm>> -> memref<16xf32, #tpu.memory_space<hbm>>
      %dma_start3A_132 = arith.constant 0 : i32
      %dma_start3A_133 = tpu.memref_slice %arg4[%add3A, %dma_start3A_132] : memref<32x16xf32, #tpu.memory_space<hbm>> -> memref<1x16xf32, #tpu.memory_space<hbm>>
      %dma_start3A_134 = tpu.memref_squeeze %dma_start3A_133 : memref<1x16xf32, #tpu.memory_space<hbm>> -> memref<16xf32, #tpu.memory_space<hbm>>
      tpu.enqueue_dma source(%arg7 : memref<16xf32, #tpu.memory_space<vmem>>) target(%dma_start3A_134 : memref<16xf32, #tpu.memory_space<hbm>>) target_semaphore(%run_scoped3A : memref<!tpu.dma_semaphore, #tpu.memory_space<semaphore_mem>>)
      %dma_wait3A_135 = arith.constant 0 : i32
      %dma_wait3A_136 = tpu.memref_slice %arg4[%add3A, %dma_wait3A_135] : memref<32x16xf32, #tpu.memory_space<hbm>> -> memref<1x16xf32, #tpu.memory_space<hbm>>
      %dma_wait3A_137 = tpu.memref_squeeze %dma_wait3A_136 : memref<1x16xf32, #tpu.memory_space<hbm>> -> memref<16xf32, #tpu.memory_space<hbm>>
      %dma_wait3A_138 = arith.constant 0 : i32
      %dma_wait3A_139 = tpu.memref_slice %arg4[%add3A, %dma_wait3A_138] : memref<32x16xf32, #tpu.memory_space<hbm>> -> memref<1x16xf32, #tpu.memory_space<hbm>>
      %dma_wait3A_140 = tpu.memref_squeeze %dma_wait3A_139 : memref<1x16xf32, #tpu.memory_space<hbm>> -> memref<16xf32, #tpu.memory_space<hbm>>
      tpu.wait_dma2 semaphore(%run_scoped3A : memref<!tpu.dma_semaphore, #tpu.memory_space<semaphore_mem>>) src(%arg7 : memref<16xf32, #tpu.memory_space<vmem>>) dst(%dma_wait3A_140 : memref<16xf32, #tpu.memory_space<hbm>>)
      tpu.yield
    }) : () -> ()
    return
  }
}

module attributes {stable_mosaic.version = 14 : i64} {
  func.func @_tc1_body(%arg0: i32, %arg1: memref<524288xf32, #tpu.memory_space<vmem>>, %arg2: memref<524288xf32, #tpu.memory_space<vmem>>, %arg3: memref<1x1xf32, #tpu.memory_space<smem>>, %arg4: memref<8x128xf32, #tpu.memory_space<vmem>>) attributes {dimension_semantics = [#tpu.dimension_semantics<arbitrary>], iteration_bounds = array<i64: 3>, scalar_prefetch = 0 : i64, scratch_operands = 1 : i64, tpu.core_type = #tpu.core_type<tc>, window_params = [{transform_indices = @transform_0, window_bounds = array<i64: 524288>}, {transform_indices = @transform_1, window_bounds = array<i64: 524288>}, {transform_indices = @transform_2, window_bounds = array<i64: 1, 1>}]} {
    %eq3A = arith.constant 0 : i32
    %eq3A_0 = arith.cmpi eq, %arg0, %eq3A : i32
    %convert_element_type3A = arith.extui %eq3A_0 : i1 to i32
    %cond3A = arith.constant 0 : i32
    %cond3A_1 = arith.cmpi ne, %convert_element_type3A, %cond3A : i32
    scf.if %cond3A_1 {
      %broadcast_in_dim3A = arith.constant 0.000000e+00 : f32
      %broadcast_in_dim3A_22 = vector.broadcast %broadcast_in_dim3A : f32 to vector<8x128xf32>
      %swap3A_23 = arith.constant 0 : index
      %swap3A_24 = arith.constant 0 : index
      %swap3A_25 = vector.load %arg4[%swap3A_23, %swap3A_24] : memref<8x128xf32, #tpu.memory_space<vmem>>, vector<8x128xf32>
      tpu.vector_store %arg4[%swap3A_23, %swap3A_24], %broadcast_in_dim3A_22 {strides = array<i32>} : memref<8x128xf32, #tpu.memory_space<vmem>>, vector<8x128xf32>,
    } else {
    }
    %get3A = arith.constant 0 : index
    %get3A_2 = vector.load %arg1[%get3A] : memref<524288xf32, #tpu.memory_space<vmem>>, vector<524288xf32>
    %get3A_3 = arith.constant 0 : index
    %get3A_4 = vector.load %arg2[%get3A_3] : memref<524288xf32, #tpu.memory_space<vmem>>, vector<524288xf32>
    %sub3A = arith.subf %get3A_2, %get3A_4 : vector<524288xf32>
    %abs3A = math.absf %sub3A : vector<524288xf32>
    %mul3A = arith.constant 2.000000e+00 : f32
    %mul3A_5 = vector.broadcast %mul3A : f32 to vector<524288xf32>
    %mul3A_6 = arith.mulf %mul3A_5, %get3A_4 : vector<524288xf32>
    %add3A = arith.constant 1.000000e+00 : f32
    %add3A_7 = vector.broadcast %add3A : f32 to vector<524288xf32>
    %add3A_8 = arith.addf %add3A_7, %mul3A_6 : vector<524288xf32>
    %mul3A_9 = arith.mulf %abs3A, %add3A_8 : vector<524288xf32>
    %get3A_10 = arith.constant 0 : index
    %get3A_11 = arith.constant 0 : index
    %get3A_12 = vector.load %arg4[%get3A_10, %get3A_11] : memref<8x128xf32, #tpu.memory_space<vmem>>, vector<8x128xf32>
    %reshape3A = vector.shape_cast %mul3A_9 : vector<524288xf32> to vector<512x8x128xf32>
    %reduce_sum3A = arith.constant dense<0.000000e+00> : vector<8x128xf32>
    %reduce_sum3A_13 = vector.multi_reduction <add>, %reshape3A, %reduce_sum3A [0] : vector<512x8x128xf32> to vector<8x128xf32>
    %add3A_14 = arith.addf %get3A_12, %reduce_sum3A_13 : vector<8x128xf32>
    %swap3A = arith.constant 0 : index
    %swap3A_15 = arith.constant 0 : index
    %swap3A_16 = vector.load %arg4[%swap3A, %swap3A_15] : memref<8x128xf32, #tpu.memory_space<vmem>>, vector<8x128xf32>
    tpu.vector_store %arg4[%swap3A, %swap3A_15], %add3A_14 {strides = array<i32>} : memref<8x128xf32, #tpu.memory_space<vmem>>, vector<8x128xf32>,
    %eq3A_17 = arith.constant 2 : i32
    %eq3A_18 = arith.cmpi eq, %arg0, %eq3A_17 : i32
    %convert_element_type3A_19 = arith.extui %eq3A_18 : i1 to i32
    %cond3A_20 = arith.constant 0 : i32
    %cond3A_21 = arith.cmpi ne, %convert_element_type3A_19, %cond3A_20 : i32
    scf.if %cond3A_21 {
      %get3A_22 = arith.constant 0 : index
      %get3A_23 = arith.constant 0 : index
      %get3A_24 = vector.load %arg4[%get3A_22, %get3A_23] : memref<8x128xf32, #tpu.memory_space<vmem>>, vector<8x128xf32>
      %reduce_sum3A_25 = vector.shape_cast %get3A_24 : vector<8x128xf32> to vector<1x8x128xf32>
      %reduce_sum3A_26 = arith.constant dense<0.000000e+00> : vector<1xf32>
      %reduce_sum3A_27 = vector.multi_reduction <add>, %reduce_sum3A_25, %reduce_sum3A_26 [1, 2] : vector<1x8x128xf32> to vector<1xf32>
      %reduce_sum3A_28 = vector.shape_cast %reduce_sum3A_27 : vector<1xf32> to vector<1x1x1xf32>
      %reduce_sum3A_29 = vector.extract %reduce_sum3A_28[0, 0, 0] : f32 from vector<1x1x1xf32>
      %swap3A_30 = arith.constant 0 : index
      %swap3A_31 = arith.constant 0 : index
      %swap3A_32 = memref.load %arg3[%swap3A_30, %swap3A_31] : memref<1x1xf32, #tpu.memory_space<smem>>
      memref.store %reduce_sum3A_29, %arg3[%swap3A_30, %swap3A_31] : memref<1x1xf32, #tpu.memory_space<smem>>
    } else {
    }
    return
  }
  func.func @transform_0(%arg0: i32) -> i32 {
    %add3A = arith.constant 1 : i32
    %add3A_0 = arith.addi %arg0, %add3A : i32
    %c0_i32 = arith.constant 0 : i32
    return %add3A_0 : i32
  }
  func.func @transform_1(%arg0: i32) -> i32 {
    %add3A = arith.constant 1 : i32
    %add3A_0 = arith.addi %arg0, %add3A : i32
    %c0_i32 = arith.constant 0 : i32
    return %add3A_0 : i32
  }
  func.func @transform_2(%arg0: i32) -> (i32, i32) {
    %c0_i32 = arith.constant 0 : i32
    %c0_i32_0 = arith.constant 0 : i32
    %c0_i32_1 = arith.constant 0 : i32
    return %c0_i32, %c0_i32_0 : i32, i32
  }
}

module attributes {stable_mosaic.version = 14 : i64} {
  func.func @_tc2_body(%arg0: i32, %arg1: memref<262144xf32, #tpu.memory_space<vmem>>, %arg2: memref<262144xf32, #tpu.memory_space<vmem>>, %arg3: memref<32x16xf32, #tpu.memory_space<vmem>>, %arg4: memref<1x1xf32, #tpu.memory_space<smem>>, %arg5: memref<1x1xf32, #tpu.memory_space<smem>>, %arg6: memref<8x128xf32, #tpu.memory_space<vmem>>) attributes {dimension_semantics = [#tpu.dimension_semantics<arbitrary>], iteration_bounds = array<i64: 1>, scalar_prefetch = 0 : i64, scratch_operands = 1 : i64, tpu.core_type = #tpu.core_type<tc>, window_params = [{transform_indices = @transform_0, window_bounds = array<i64: 262144>}, {transform_indices = @transform_1, window_bounds = array<i64: 262144>}, {pipeline_mode = #tpu.pipeline_mode<synchronous>, transform_indices = @transform_2, window_bounds = array<i64: 32, 16>}, {transform_indices = @transform_3, window_bounds = array<i64: 1, 1>}, {transform_indices = @transform_4, window_bounds = array<i64: 1, 1>}]} {
    %eq3A = arith.constant 0 : i32
    %eq3A_0 = arith.cmpi eq, %arg0, %eq3A : i32
    %convert_element_type3A = arith.extui %eq3A_0 : i1 to i32
    %cond3A = arith.constant 0 : i32
    %cond3A_1 = arith.cmpi ne, %convert_element_type3A, %cond3A : i32
    scf.if %cond3A_1 {
      %broadcast_in_dim3A = arith.constant 0.000000e+00 : f32
      %broadcast_in_dim3A_22 = vector.broadcast %broadcast_in_dim3A : f32 to vector<8x128xf32>
      %swap3A_23 = arith.constant 0 : index
      %swap3A_24 = arith.constant 0 : index
      %swap3A_25 = vector.load %arg6[%swap3A_23, %swap3A_24] : memref<8x128xf32, #tpu.memory_space<vmem>>, vector<8x128xf32>
      tpu.vector_store %arg6[%swap3A_23, %swap3A_24], %broadcast_in_dim3A_22 {strides = array<i32>} : memref<8x128xf32, #tpu.memory_space<vmem>>, vector<8x128xf32>,
    } else {
    }
    %get3A = arith.constant 0 : index
    %get3A_2 = vector.load %arg1[%get3A] : memref<262144xf32, #tpu.memory_space<vmem>>, vector<262144xf32>
    %get3A_3 = arith.constant 0 : index
    %get3A_4 = vector.load %arg2[%get3A_3] : memref<262144xf32, #tpu.memory_space<vmem>>, vector<262144xf32>
    %sub3A = arith.subf %get3A_2, %get3A_4 : vector<262144xf32>
    %abs3A = math.absf %sub3A : vector<262144xf32>
    %mul3A = arith.constant 2.000000e+00 : f32
    %mul3A_5 = vector.broadcast %mul3A : f32 to vector<262144xf32>
    %mul3A_6 = arith.mulf %mul3A_5, %get3A_4 : vector<262144xf32>
    %add3A = arith.constant 1.000000e+00 : f32
    %add3A_7 = vector.broadcast %add3A : f32 to vector<262144xf32>
    %add3A_8 = arith.addf %add3A_7, %mul3A_6 : vector<262144xf32>
    %mul3A_9 = arith.mulf %abs3A, %add3A_8 : vector<262144xf32>
    %get3A_10 = arith.constant 0 : index
    %get3A_11 = arith.constant 0 : index
    %get3A_12 = vector.load %arg6[%get3A_10, %get3A_11] : memref<8x128xf32, #tpu.memory_space<vmem>>, vector<8x128xf32>
    %reshape3A = vector.shape_cast %mul3A_9 : vector<262144xf32> to vector<256x8x128xf32>
    %reduce_sum3A = arith.constant dense<0.000000e+00> : vector<8x128xf32>
    %reduce_sum3A_13 = vector.multi_reduction <add>, %reshape3A, %reduce_sum3A [0] : vector<256x8x128xf32> to vector<8x128xf32>
    %add3A_14 = arith.addf %get3A_12, %reduce_sum3A_13 : vector<8x128xf32>
    %swap3A = arith.constant 0 : index
    %swap3A_15 = arith.constant 0 : index
    %swap3A_16 = vector.load %arg6[%swap3A, %swap3A_15] : memref<8x128xf32, #tpu.memory_space<vmem>>, vector<8x128xf32>
    tpu.vector_store %arg6[%swap3A, %swap3A_15], %add3A_14 {strides = array<i32>} : memref<8x128xf32, #tpu.memory_space<vmem>>, vector<8x128xf32>,
    %eq3A_17 = arith.constant 0 : i32
    %eq3A_18 = arith.cmpi eq, %arg0, %eq3A_17 : i32
    %convert_element_type3A_19 = arith.extui %eq3A_18 : i1 to i32
    %cond3A_20 = arith.constant 0 : i32
    %cond3A_21 = arith.cmpi ne, %convert_element_type3A_19, %cond3A_20 : i32
    scf.if %cond3A_21 {
      %get3A_22 = arith.constant 0 : index
      %get3A_23 = arith.constant 0 : index
      %get3A_24 = vector.load %arg6[%get3A_22, %get3A_23] : memref<8x128xf32, #tpu.memory_space<vmem>>, vector<8x128xf32>
      %reduce_sum3A_25 = vector.shape_cast %get3A_24 : vector<8x128xf32> to vector<1x8x128xf32>
      %reduce_sum3A_26 = arith.constant dense<0.000000e+00> : vector<1xf32>
      %reduce_sum3A_27 = vector.multi_reduction <add>, %reduce_sum3A_25, %reduce_sum3A_26 [1, 2] : vector<1x8x128xf32> to vector<1xf32>
      %reduce_sum3A_28 = vector.shape_cast %reduce_sum3A_27 : vector<1xf32> to vector<1x1x1xf32>
      %reduce_sum3A_29 = vector.extract %reduce_sum3A_28[0, 0, 0] : f32 from vector<1x1x1xf32>
      %get3A_30 = arith.constant 0 : index
      %get3A_31 = arith.constant 0 : index
      %get3A_32 = vector.load %arg3[%get3A_30, %get3A_31] : memref<32x16xf32, #tpu.memory_space<vmem>>, vector<32x16xf32>
      %reduce_sum3A_33 = vector.shape_cast %get3A_32 : vector<32x16xf32> to vector<1x32x16xf32>
      %reduce_sum3A_34 = arith.constant dense<0.000000e+00> : vector<1xf32>
      %reduce_sum3A_35 = vector.multi_reduction <add>, %reduce_sum3A_33, %reduce_sum3A_34 [1, 2] : vector<1x32x16xf32> to vector<1xf32>
      %reduce_sum3A_36 = vector.shape_cast %reduce_sum3A_35 : vector<1xf32> to vector<1x1x1xf32>
      %reduce_sum3A_37 = vector.extract %reduce_sum3A_36[0, 0, 0] : f32 from vector<1x1x1xf32>
      %add3A_38 = arith.addf %reduce_sum3A_29, %reduce_sum3A_37 : f32
      %get3A_39 = arith.constant 0 : index
      %get3A_40 = arith.constant 0 : index
      %get3A_41 = memref.load %arg4[%get3A_39, %get3A_40] : memref<1x1xf32, #tpu.memory_space<smem>>
      %add3A_42 = arith.addf %add3A_38, %get3A_41 : f32
      %swap3A_43 = arith.constant 0 : index
      %swap3A_44 = arith.constant 0 : index
      %swap3A_45 = memref.load %arg5[%swap3A_43, %swap3A_44] : memref<1x1xf32, #tpu.memory_space<smem>>
      memref.store %add3A_42, %arg5[%swap3A_43, %swap3A_44] : memref<1x1xf32, #tpu.memory_space<smem>>
    } else {
    }
    return
  }
  func.func @transform_0(%arg0: i32) -> i32 {
    %add3A = arith.constant 1 : i32
    %add3A_0 = arith.addi %arg0, %add3A : i32
    %c0_i32 = arith.constant 0 : i32
    return %add3A_0 : i32
  }
  func.func @transform_1(%arg0: i32) -> i32 {
    %add3A = arith.constant 1 : i32
    %add3A_0 = arith.addi %arg0, %add3A : i32
    %c0_i32 = arith.constant 0 : i32
    return %add3A_0 : i32
  }
  func.func @transform_2(%arg0: i32) -> (i32, i32) {
    %c0_i32 = arith.constant 0 : i32
    %c0_i32_0 = arith.constant 0 : i32
    %c0_i32_1 = arith.constant 0 : i32
    return %c0_i32, %c0_i32_0 : i32, i32
  }
  func.func @transform_3(%arg0: i32) -> (i32, i32) {
    %c0_i32 = arith.constant 0 : i32
    %c0_i32_0 = arith.constant 0 : i32
    %c0_i32_1 = arith.constant 0 : i32
    return %c0_i32, %c0_i32_0 : i32, i32
  }
  func.func @transform_4(%arg0: i32) -> (i32, i32) {
    %c0_i32 = arith.constant 0 : i32
    %c0_i32_0 = arith.constant 0 : i32
    %c0_i32_1 = arith.constant 0 : i32
    return %c0_i32, %c0_i32_0 : i32, i32
  }
}

</mosaic_0001>

<sc_bundles>
// kernel: kernel.5.cloned.1.call-start
scs
__scs_entry_jumppad:
0x0: {  	(pc) =	sbr.rel $0x88, $3  }
0x1: {  	(tag) =	ssettag $0x0;
	lr =	simm.s32 $0x1  }
0x2: {  	[smem:$0x3F9F] =	sst lr;
	_ =	strace $0xD0000000  }
0x3: {  	_ = 	snop  }
0x4: {  	_ = 	snop  }
0x5: {  	_ = 	snop  }
0x6: {  	_ = 	snop  }
0x7: {  	_ = 	snop  }
__scs_overlays_trampoline_lowered:
0x8: {  	[smem:$0x3FAE] =	sst s0  }
0x9: {  	[smem:$0x3FAF] =	sst s1  }
0xa: {  	[smem:$0x3FB0] =	sst s2  }
0xb: {  	[smem:$0x3FB1] =	sst s3  }
0xc: {  	[smem:$0x3FB2] =	sst s4  }
0xd: {  	[smem:$0x3FB3] =	sst s5  }
0xe: {  	[smem:$0x3FB4] =	sst s6  }
0xf: {  	[smem:$0x3FB5] =	sst s7  }
0x10: {  	[smem:$0x3FB6] =	sst s8  }
0x11: {  	[smem:$0x3FB7] =	sst s9;
	s0 =	simm.s32 @!p0 $0x0  }
0x12: {  	s1 =	sld [smem:$0x3F9D];
	s0 =	simm.s32 @p0 $0x1  }
0x13: {  	[smem:$0x3FB8] =	sst s0;
	s0 =	simm.s32 @!p1 $0x0  }
0x14: {  	s2 =	sld [smem:$0x3F9C];
	s0 =	simm.s32 @p1 $0x1  }
0x15: {  	[smem:$0x3FB9] =	sst s0;
	s0 =	simm.s32 @!p2 $0x0  }
0x16: {  	s3 =	sld [smem:$0x3FDB];
	s0 =	simm.s32 @p2 $0x1  }
0x17: {  	s4 =	simm.s32 $0x1BF5;
	[smem:$0x3FBB] =	sst s0  }
0x18: {  	s0 =	sld [smem:$0x3F9E];
	_ =	swait.ge [sflag:s4], $0x0  }
0x19: {  	s7 =	sld [smem:$0x3F9F]  }
0x1a: {  	s8 =	sadd.s32 $0xFFFFE003, lr  }
0x1b: {  	s9 =	sadd.s32 $0xFFFFFEF7, lr;
	s5 =	simm.s32 $0xFFFFFFFF;
	p2 =	slt.u32 s8, $0xFFFFF086  }
0x1c: {  	p1 =	slt.u32 s9, $0xF7A;
	s5 =	simm.s32 @!p2 $0x0  }
0x1d: {  	s5 =	simm.s32 @p1 $0x1;
	p0 =	seq.s32 s7, s2  }
0x1e: {  	s7 =	smul.u32 @!p0 $0xF7A, s2;
	p2 =	seq.s32 @!p0 s5, $0x0  }
0x1f: {  	s9 =	smul.u32 $0xF7A, s1;
	s8 =	simm.s32 @!p0 $0x1BF5;
	p2 =	por !p2, p0  }
0x20: {  	[sflag:s8] =	ssyncset.s32 @!p0 $0xFFFFF086;
	s6 =	sadd.s32 @!p0 s3, s7;
	s7 =	simm.s32 @!p0 $0x108  }
0x21: {  	s3 =	sadd.s32 s3, s9;
	s6 =	sadd.s32 @!p0 $0x88, s6;
	s7 =	simm.s32 @p2 $0x1082  }
0x22: {  	[simem:s7], [sflag:s8] =	dma.local @!p0 [hbm:s6], $0xF7A  }
0x23: {  	s9 =	sor.u32 $0xD0000000, s2;
	s6 =	simm.s32 $0x108;
	_ =	swait.ge @!p0 [sflag:s8], $0x0  }
0x24: {  	s3 =	sadd.s32 $0x88, s3;
	s6 =	simm.s32 @!p1 $0x1082;
	[sflag:s4] =	ssyncset.s32 $0xFFFFF086  }
0x25: {  	[simem:s6], [sflag:s4] =	dma.local [hbm:s3], $0xF7A  }
0x26: {  	[smem:$0x3F9F] =	sst s1;
	(tag) =	ssettag s2;
	_ =	strace s9  }
0x27: {  	s1 =	sld [smem:$0x3FAF]  }
0x28: {  	s2 =	sld [smem:$0x3FB0]  }
0x29: {  	s4 =	sld [smem:$0x3FB2]  }
0x2a: {  	p0 =	seq.s32 s5, $0x0;
	s5 =	sld [smem:$0x3FB3]  }
0x2b: {  	s6 =	sld [smem:$0x3FB4]  }
0x2c: {  	s7 =	sld [smem:$0x3FB5]  }
0x2d: {  	s3 =	simm.s32 $0x108;
	s8 =	sld [smem:$0x3FB6]  }
0x2e: {  	s3 =	simm.s32 @!p0 $0x1082;
	s9 =	sld [smem:$0x3FB7]  }
0x2f: {  	lr =	sadd.s32 s0, s3;
	s0 =	sld [smem:$0x3FAE]  }
0x30: {  	s3 =	sld [smem:$0x3FB1]  }
0x31: {  	[smem:$0x3FBA] =	sst s10  }
0x32: {  	s10 =	sld [smem:$0x3FB8];
	_ =	sdelay $0x3  }
0x33: {  	p0 =	seq.s32 s10, $0x1;
	s10 =	sld [smem:$0x3FBA];
	_ =	sdelay $0x3  }
0x34: {  	[smem:$0x3FBA] =	sst s10  }
0x35: {  	s10 =	sld [smem:$0x3FB9];
	_ =	sdelay $0x3  }
0x36: {  	p1 =	seq.s32 s10, $0x1;
	s10 =	sld [smem:$0x3FBA];
	_ =	sdelay $0x3  }
0x37: {  	[smem:$0x3FBA] =	sst s10  }
0x38: {  	s10 =	sld [smem:$0x3FBB]  }
0x39: {  	_ = 	snop;
	(pc) =	sbr.ind lr, $3  }
0x3a: {  	_ = 	snop  }
0x3b: {  	_ = 	snop  }
0x3c: {  	p2 =	seq.s32 s10, $0x1;
	s10 =	sld [smem:$0x3FBA]  }
0x3d: {  	_ =	shalt  }
0x3e: {  	_ =	shalt  }
0x3f: {  	_ =	shalt  }
0x40: {  	_ =	shalt  }
0x41: {  	_ =	shalt  }
0x42: {  	_ =	shalt  }
0x43: {  	_ =	shalt  }
0x44: {  	_ =	shalt  }
0x45: {  	_ =	shalt  }
0x46: {  	_ =	shalt  }
0x47: {  	_ =	shalt  }
0x48: {  	_ =	shalt  }
0x49: {  	_ =	shalt  }
0x4a: {  	_ =	shalt  }
0x4b: {  	_ =	shalt  }
0x4c: {  	_ =	shalt  }
0x4d: {  	_ =	shalt  }
0x4e: {  	_ =	shalt  }
0x4f: {  	_ =	shalt  }
0x50: {  	_ =	shalt  }
0x51: {  	_ =	shalt  }
0x52: {  	_ =	shalt  }
0x53: {  	_ =	shalt  }
0x54: {  	_ =	shalt  }
0x55: {  	_ =	shalt  }
0x56: {  	_ =	shalt  }
0x57: {  	_ =	shalt  }
0x58: {  	_ =	shalt  }
0x59: {  	_ =	shalt  }
0x5a: {  	_ =	shalt  }
0x5b: {  	_ =	shalt  }
0x5c: {  	_ =	shalt  }
0x5d: {  	_ =	shalt  }
0x5e: {  	_ =	shalt  }
0x5f: {  	_ =	shalt  }
0x60: {  	_ =	shalt  }
0x61: {  	_ =	shalt  }
0x62: {  	_ =	shalt  }
0x63: {  	_ =	shalt  }
0x64: {  	_ =	shalt  }
0x65: {  	_ =	shalt  }
0x66: {  	_ =	shalt  }
0x67: {  	_ =	shalt  }
0x68: {  	_ =	shalt  }
0x69: {  	_ =	shalt  }
0x6a: {  	_ =	shalt  }
0x6b: {  	_ =	shalt  }
0x6c: {  	_ =	shalt  }
0x6d: {  	_ =	shalt  }
0x6e: {  	_ =	shalt  }
0x6f: {  	_ =	shalt  }
0x70: {  	_ =	shalt  }
0x71: {  	_ =	shalt  }
0x72: {  	_ =	shalt  }
0x73: {  	_ =	shalt  }
0x74: {  	_ =	shalt  }
0x75: {  	_ =	shalt  }
0x76: {  	_ =	shalt  }
0x77: {  	_ =	shalt  }
0x78: {  	_ =	shalt  }
0x79: {  	_ =	shalt  }
0x7a: {  	_ =	shalt  }
0x7b: {  	_ =	shalt  }
0x7c: {  	_ =	shalt  }
0x7d: {  	_ =	shalt  }
0x7e: {  	_ =	shalt  }
0x7f: {  	_ =	shalt  }
0x80: {  	_ =	shalt  }
0x81: {  	_ =	shalt  }
0x82: {  	_ =	shalt  }
0x83: {  	_ =	shalt  }
0x84: {  	_ =	shalt  }
0x85: {  	_ =	shalt  }
0x86: {  	_ =	shalt  }
0x87: {  	_ =	shalt  }
.Lfunc_end0:
.L_simem_size_0:
called_computation_lowered:
.L_overlay_start_0:
0x88: {  	s2 =	sld [smem:$0x3FD9]  }
0x89: {  	s3 =	sld [smem:$0x3FFE];
	_ =	sdelay $0x1  }
0x8a: {  	s1 =	srdreg.scid  }
0x8b: {  	s0 =	sand.u32 $0x1, s1  }
0x8c: {  	s17 =	sshll.u32 s0, $0xA;
	s2 =	sadd.s32 s3, s2  }
0x8d: {  	s2 =	sadd.s32 s2, s17  }
0x8e: {  	[smem:$0x3FC6] =	sst s2  }
0x8f: {  	_ = 	snop  }
0x90: {  	s2 =	sld [smem:$0x3FC9]  }
0x91: {  	s18 =	sld [smem:$0x3FC8];
	(tm) =	ssettm $0x1  }
0x92: {  	s4 =	sld [smem:$0x3FFB];
	_ =	sdelay $0x3  }
0x93: {  	_ =	strace s4  }
0x94: {  	s4 =	sld [smem:$0x3FFC];
	_ =	sdelay $0x3  }
0x95: {  	_ =	strace s4  }
0x96: {  	s4 =	sld [smem:$0x3FFD];
	_ =	sdelay $0x3  }
0x97: {  	_ =	strace s4  }
0x98: {  	_ =	strace $0x8FFFFFFF  }
0x99: {  	s19 =	sld [smem:$0x3FDB];
	_ =	sdelay $0x1  }
0x9a: {  	s5 =	simm.s32 $_scs_section_size  }
0x9b: {  	s6 =	simm.s32 $_size__tile_overlayer_lowered;
	s7 =	simm.s32 $_tile_overlayer_lowered  }
0x9c: {  	s22 =	simm.s32 $0x1BFF;
	s21 =	sshll.u32 s7, $0x1;
	s4 =	sadd.s32 s5, s19  }
0x9d: {  	s8 =	simm.s32 $0x0;
	s20 =	sshll.u32 s6, $0x1;
	s6 =	sadd.s32 s21, s4  }
0x9e: {  	[timem:s8], [sflag:s22] =	dma.local [hbm:s6], s20  }
0x9f: {  	_ =	swait.ge [sflag:s22], s20  }
0xa0: {  	s5 =	ssub.s32 $0x0, s20;
	[sflag:s22] =	ssyncset.done $0x0  }
0xa1: {  	[sflag:s22] =	ssyncadd.s32 s5;
	_ =	sdelay $0x1  }
0xa2: {  	s23 =	simm.s32 $0x1B8B  }
0xa3: {  	_ =	swait.ge [sflag:s23], $0x1  }
0xa4: {  	[sflag:s23] =	ssyncset.done $0x0  }
0xa5: {  	s25 =	simm.s32 $0x1B8E;
	s24 =	sld [smem:$0x3FFE];
	[sflag:s23] =	ssyncadd.s32 $0xFFFFFFFF  }
0xa6: {  	s26 =	simm.s32 $execute0_lowered;
	[smem:$0x3FD2] =	sst s25  }
0xa7: {  	s6 =	sshll.u32 s26, $0x1;
	_ =	strace $0x80000046;
	[dreg:$0x1] =	wrdreg $0xFFFFFFFF  }
0xa8: {  	s28 =	simm.s32 $_size_execute0_lowered;
	s4 =	sadd.s32 s4, s6;
	[dreg:$0x0] =	wrdreg $0x0  }
0xa9: {  	s6 =	sshll.u32 s28, $0x1;
	[dreg:$0x2] =	wrdreg s4  }
0xaa: {  	[dreg:$0x3] =	wrdreg s6  }
0xab: {  	[dreg:$0x4] =	wrdreg $0xC0  }
0xac: {  	_ =	task [dreg:s8], $0x5FFFF  }
0xad: {  	[dreg:$0x1] =	wrdreg $0xFFFFFFFF  }
0xae: {  	[dreg:$0x0] =	wrdreg $0x60  }
0xaf: {  	[dreg:$0x2] =	wrdreg s2  }
0xb0: {  	[dreg:$0x3] =	wrdreg s18  }
0xb1: {  	[dreg:$0x4] =	wrdreg s24  }
0xb2: {  	[dreg:$0x5] =	wrdreg $0x9  }
0xb3: {  	_ =	task.clear_ibuf [dreg:s8], $0x6FFFF;
	_ =	strace $0x90000046  }
0xb4: {  	s29 =	simm.s32 $0x9;
	_ =	strace $0x80000048  }
0xb5: {  	_ =	swait.ge [sflag:s29], $0x1  }
0xb6: {  	[sflag:s29] =	ssyncadd.s32 $0xFFFFFFFF  }
0xb7: {  	_ =	strace $0x90000048  }
0xb8: {  	_ =	sfence  }
0xb9: {  	s30 =	sld [smem:$0x0];
	_ =	sdelay $0x2  }
0xba: {  	s31 =	sshll.u32 s1, $0xD;
	s1 =	sshrl.u32 s1, $0x2  }
0xbb: {  	s3 =	sand.u32 $0x4000, s31;
	s1 =	sadd.s32 s1, s30  }
0xbc: {  	s0 =	sor.u32 s3, s0;
	s1 =	sshll.u32 s1, $0x11  }
0xbd: {  	s0 =	sor.u32 s1, s0  }
0xbe: {  	s0 =	sadd.s32 $0x8F2B, s0  }
0xbf: {  	[sflag:s0] =	ssyncadd.remote.s32 $0x1  }
0xc0: {  	_ =	sfence.sel $0xFFFF  }
0xc1: {  	[dreg:$0x0] =	wrdreg $0xFFFFFFFF;
	(pc) =	sbr.abs _section_cstart, $3  }
0xc2: {  	[dreg:$0x1] =	wrdreg $0xFFFFFFFF  }
0xc3: {  	_ =	task.clear_ibuf [dreg:s8], $0x2FFFF;
	_ =	strace $0x9FFFFFFF  }
0xc4: {  	(tm) =	ssettm $0x7FFFFFFF  }
0xc5: {  	_ =	shalt  }
tec
execute0_lowered:
.L_overlay_start_1:
0x0: {  	(tag) =	ssettag $0x1  }
0x1: {  	s5 =	rddreg [dreg:$0x0]  }
0x2: {  	s6 =	rddreg [dreg:$0x1]  }
0x3: {  	s3 =	rddreg [dreg:$0x2]  }
0x4: {  	s0 =	rddreg [dreg:$0x3]  }
0x5: {  	s2 =	simm.s32 $0x0;
	s1 =	stileid.u32;
	s4 =	srdreg.scid  }
0x6: {  	s11 =	simm.s32 $0x4000;
	s12 =	simm.s32 $0x3;
	s13 =	simm.s32 $0x0  }
0x7: {  	[smem:$0x7FF] =	sst s2;
	s7 =	sshll.u32 s1, $0x4;
	s4 =	sand.u32 $0x1, s4  }
0x8: {  	_ =	strace $0x80000047;
	s7 =	sand.u32 $0x70, s7;
	s8 =	sshll.u32 s4, $0x4  }
0x9: {  	s29 =	ssub.s32 $0x2, s4;
	s7 =	sadd.s32 s7, s3;
	s30 =	sor.u32 s1, s8  }
0xa: {  	s31 =	sshrl.u32 s29, $0x1;
	s9 =	sshll.u32 s30, $0xA;
	s4 =	sshll.u32 s30, $0x4  }
0xb: {  	s8 =	ssub.s32 s29, s31;
	s3 =	sadd.s32 s5, s9;
	s10 =	sand.u32 $0x180, s4  }
0xc: {  	s4 =	sadd.s32 s6, s9;
	s9 =	sor.u32 $0x200, s9;
	s8 =	smax.u32 s8, $0x1  }
0xd: {  	s7 =	sadd.s32 s10, s7;
	s5 =	sadd.s32 s5, s9;
	s6 =	sadd.s32 s6, s9  }
0xe: {  	s9 =	simm.s32 $0x1;
	s10 =	simm.s32 $0x2;
	s7 =	sadd.s32 $0xA00, s7  }
.LBB2_1:
0xf: {  	s14 =	simm.s32 $0x10  }
0x10: {  	s17 =	sadd.s32 $0x0, s3;
	s15 =	simm.s32 $0x100;
	s16 =	simm.s32 $0x0  }
.LBB2_2:
0x11: {  	[tilespmem:s16], [sflag:$0x1] =	stream.linear.gather [hbm4b:s17+s2], $0x80, $0x38;
	[tilespmem:$0x4080] =	vst v63  }
0x12: {  	s17 =	smov.u32 s14;
	s16 =	smov.u32 s15;
	p0 =	sne.s32 s14, $0x1F0  }
.Ltmp0:
0x13: {  	s14 =	sadd.s32 $0x10, s14;
	(pc) =	sbr.rel @p0 .LBB2_2-.Ltmp0, $2  }
0x14: {  	_ =	sdelay $0x2  }
0x15: {  	s15 =	sadd.s32 $0x100, s15;
	s17 =	sadd.s32 s17, s3  }
0x16: {  	[tilespmem:s16], [sflag:$0x1] =	stream.linear.gather [hbm4b:s17+s2], $0x80, $0x38;
	[tilespmem:$0x4080] =	vst v63  }
0x17: {  	s14 =	simm.s32 $0x2000  }
0x18: {  	s15 =	simm.s32 $0x10;
	s17 =	sadd.s32 $0x0, s4;
	s16 =	simm.s32 $0x2100  }
.LBB2_4:
0x19: {  	[tilespmem:s14], [sflag:$0x1] =	stream.linear.gather [hbm4b:s17+s2], $0x80, $0x38;
	[tilespmem:$0x4080] =	vst v63  }
0x1a: {  	s17 =	smov.u32 s15;
	s14 =	smov.u32 s16;
	p0 =	sne.s32 s15, $0x1F0  }
.Ltmp1:
0x1b: {  	s15 =	sadd.s32 $0x10, s15;
	(pc) =	sbr.rel @p0 .LBB2_4-.Ltmp1, $2  }
0x1c: {  	_ =	sdelay $0x2  }
0x1d: {  	s16 =	sadd.s32 $0x100, s16;
	s17 =	sadd.s32 s17, s4  }
0x1e: {  	[tilespmem:s14], [sflag:$0x1] =	stream.linear.gather [hbm4b:s17+s2], $0x80, $0x38;
	[tilespmem:$0x4080] =	vst v63  }
0x1f: {  	s14 =	simm.s32 $0x80  }
0x20: {  	s15 =	simm.s32 $0x10;
	s17 =	sadd.s32 $0x0, s5;
	s16 =	simm.s32 $0x180  }
.LBB2_6:
0x21: {  	[tilespmem:s14], [sflag:$0x2] =	stream.linear.gather [hbm4b:s17+s2], $0x80, $0x38;
	[tilespmem:$0x4080] =	vst v63  }
0x22: {  	s17 =	smov.u32 s15;
	s14 =	smov.u32 s16;
	p0 =	sne.s32 s15, $0x1F0  }
.Ltmp2:
0x23: {  	s15 =	sadd.s32 $0x10, s15;
	(pc) =	sbr.rel @p0 .LBB2_6-.Ltmp2, $2  }
0x24: {  	_ =	sdelay $0x2  }
0x25: {  	s16 =	sadd.s32 $0x100, s16;
	s17 =	sadd.s32 s17, s5  }
0x26: {  	[tilespmem:s14], [sflag:$0x2] =	stream.linear.gather [hbm4b:s17+s2], $0x80, $0x38;
	[tilespmem:$0x4080] =	vst v63  }
0x27: {  	s14 =	simm.s32 $0x2080  }
0x28: {  	s15 =	simm.s32 $0x10;
	s17 =	sadd.s32 $0x0, s6;
	s16 =	simm.s32 $0x2180  }
.LBB2_8:
0x29: {  	[tilespmem:s14], [sflag:$0x2] =	stream.linear.gather [hbm4b:s17+s2], $0x80, $0x38;
	[tilespmem:$0x4080] =	vst v63  }
0x2a: {  	s17 =	smov.u32 s15;
	s14 =	smov.u32 s16;
	p0 =	sne.s32 s15, $0x1F0  }
.Ltmp3:
0x2b: {  	s15 =	sadd.s32 $0x10, s15;
	(pc) =	sbr.rel @p0 .LBB2_8-.Ltmp3, $2  }
0x2c: {  	_ =	sdelay $0x2  }
0x2d: {  	s16 =	sadd.s32 $0x100, s16;
	s17 =	sadd.s32 s17, s6  }
0x2e: {  	[tilespmem:s14], [sflag:$0x2] =	stream.linear.gather [hbm4b:s17+s2], $0x80, $0x38;
	[tilespmem:$0x4080] =	vst v63  }
0x2f: {  	_ =	swait.ge [sflag:s9], $0x1000  }
0x30: {  	[sflag:s9] =	ssyncset.done $0x0  }
0x31: {  	[sflag:s9] =	ssyncadd.s32 $0xFFFFF000  }
0x32: {  	s30 =	simm.s32 $0x0;
	_ =	swait.ge [sflag:s9], $0x1000  }
0x33: {  	s15 =	sand.u32 $0x40, s30;
	s14 =	sand.u32 $0x1F00, s30;
	[sflag:s9] =	ssyncset.done $0x0  }
0x34: {  	s15 =	sor.u32 s15, s14;
	[sflag:s9] =	ssyncadd.s32 $0xFFFFF000  }
0x35: {  	v0 =	vld [tilespmem:s15+$0x10]  }
0x36: {  	v1 =	vld [tilespmem:s15+$0x2030]  }
0x37: {  	v3 =	vld [tilespmem:s15+$0x2010]  }
0x38: {  	v4 =	vld [tilespmem:s15+$0x30]  }
0x39: {  	v5 =	vld [tilespmem:s15+$0x0]  }
0x3a: {  	v8 =	vld [tilespmem:s15+$0x2000]  }
0x3b: {  	v13 =	vld [tilespmem:s15+$0x2020]  }
0x3c: {  	s31 =	simm.s32 $0x40;
	s16 =	simm.s32 $0x80;
	v16 =	vld [tilespmem:s15+$0x20]  }
0x3d: {  	s16 =	sand.u32 $0x1F00, s16;
	s14 =	sand.u32 $0x40, s31  }
0x3e: {  	s14 =	sor.u32 s14, s16;
	v7 =	vadd.f32 v1, v1;
	v0 =	vsub.f32 v0, v3  }
0x3f: {  	v2 =	vld [tilespmem:s14+$0x10];
	v1 =	vsub.f32 v4, v1;
	v3 =	vadd.f32 v3, v3  }
0x40: {  	v9 =	vld [tilespmem:s14+$0x2010];
	v11 =	vsub.f32 v5, v8;
	v15 =	vadd.f32 v13, v13  }
0x41: {  	v6 =	vimm.f32 $0.0e+00;
	v4 =	vld [tilespmem:s14+$0x2030];
	v12 =	vadd.f32 v8, v8;
	v13 =	vsub.f32 v16, v13  }
0x42: {  	v8 =	vimm.f32 $0.0e+00;
	v10 =	vadd.f32 $1.000000000e+00, v7;
	v7 =	vld [tilespmem:s14+$0x30];
	v3 =	vadd.f32 $1.000000000e+00, v3  }
0x43: {  	v5 =	vimm.f32 $0.0e+00;
	v1 =	vand.u32 $0x7FFFFFFF, v1;
	v17 =	vand.u32 $0x7FFFFFFF, v0;
	v0 =	vld [tilespmem:s14+$0x0]  }
0x44: {  	s16 =	simm.s32 $0x80;
	s15 =	simm.s32 $0x100;
	v14 =	vmul.f32 v10, v1;
	v10 =	vmul.f32 v3, v17;
	v1 =	vld [tilespmem:s14+$0x2000];
	v3 =	vimm.f32 $0.0e+00  }
.LBB2_10:
0x45: {  	s19 =	smov.u32 s16  }
0x46: {  	s17 =	sand.u32 $0x40, s16;
	s18 =	sand.u32 $0x1F00, s15;
	v16 =	vld [tilespmem:s14+$0x2020];
	v11 =	vand.u32 $0x7FFFFFFF, v11;
	v15 =	vadd.f32 $1.000000000e+00, v15;
	v6 =	vadd.f32 v14, v6;
	s19 =	sadd.s32 $0x40, s16  }
0x47: {  	p0 =	sne.s32 s16, $0xFC0;
	v14 =	vadd.f32 v4, v4;
	v12 =	vadd.f32 $1.000000000e+00, v12;
	v13 =	vand.u32 $0x7FFFFFFF, v13;
	v17 =	vld [tilespmem:s14+$0x20];
	s14 =	sor.u32 s17, s18  }
0x48: {  	v19 =	vsub.f32 v7, v4;
	v18 =	vsub.f32 v2, v9;
	v13 =	vmul.f32 v15, v13;
	v2 =	vld [tilespmem:s14+$0x10]  }
.Ltmp4:
0x49: {  	v8 =	vadd.f32 v10, v8;
	v15 =	vadd.f32 v9, v9;
	v11 =	vmul.f32 v12, v11;
	v4 =	vld [tilespmem:s14+$0x2030];
	(pc) =	sbr.rel @p0 .LBB2_10-.Ltmp4, $4  }
0x4a: {  	v10 =	vand.u32 $0x7FFFFFFF, v19;
	v12 =	vadd.f32 $1.000000000e+00, v14;
	v5 =	vadd.f32 v13, v5;
	v7 =	vld [tilespmem:s14+$0x30]  }
0x4b: {  	v13 =	vand.u32 $0x7FFFFFFF, v18;
	v18 =	vadd.f32 $1.000000000e+00, v15;
	v3 =	vadd.f32 v11, v3;
	v9 =	vld [tilespmem:s14+$0x2010]  }
0x4c: {  	v11 =	vsub.f32 v0, v1;
	v15 =	vadd.f32 v16, v16;
	v14 =	vmul.f32 v12, v10;
	v0 =	vld [tilespmem:s14+$0x0]  }
0x4d: {  	s15 =	sadd.s32 $0x80, s15;
	s16 =	smov.u32 s19;
	v12 =	vadd.f32 v1, v1;
	v10 =	vmul.f32 v18, v13;
	v13 =	vsub.f32 v17, v16;
	v1 =	vld [tilespmem:s14+$0x2000]  }
0x4e: {  	v16 =	vld [tilespmem:s14+$0x2020]  }
0x4f: {  	v17 =	vld [tilespmem:s14+$0x20];
	_ =	swait.ge [sflag:s10], $0x1000  }
0x50: {  	[sflag:s10] =	ssyncset.done $0x0  }
0x51: {  	v15 =	vadd.f32 $1.000000000e+00, v15;
	[sflag:s10] =	ssyncadd.s32 $0xFFFFF000  }
0x52: {  	v6 =	vadd.f32 v14, v6;
	v14 =	vadd.f32 v4, v4;
	s30 =	simm.s32 $0x0;
	_ =	swait.ge [sflag:s10], $0x1000  }
0x53: {  	v12 =	vadd.f32 $1.000000000e+00, v12;
	v13 =	vand.u32 $0x7FFFFFFF, v13;
	s15 =	sand.u32 $0x40, s30;
	s14 =	sand.u32 $0x1F00, s30;
	v4 =	vsub.f32 v7, v4;
	[sflag:s10] =	ssyncset.done $0x0  }
0x54: {  	v8 =	vadd.f32 v10, v8;
	v2 =	vsub.f32 v2, v9;
	v7 =	vmul.f32 v15, v13;
	s15 =	sor.u32 s15, s14;
	[sflag:s10] =	ssyncadd.s32 $0xFFFFF000  }
0x55: {  	v11 =	vand.u32 $0x7FFFFFFF, v11;
	v9 =	vadd.f32 v9, v9;
	v10 =	vadd.f32 $1.000000000e+00, v14;
	v13 =	vld [tilespmem:s15+$0x90]  }
0x56: {  	v11 =	vmul.f32 v12, v11;
	v5 =	vadd.f32 v7, v5;
	v7 =	vadd.f32 v16, v16;
	v12 =	vld [tilespmem:s15+$0x20B0]  }
0x57: {  	v4 =	vand.u32 $0x7FFFFFFF, v4;
	v9 =	vadd.f32 $1.000000000e+00, v9;
	v14 =	vsub.f32 v17, v16;
	v15 =	vld [tilespmem:s15+$0xB0]  }
0x58: {  	v2 =	vand.u32 $0x7FFFFFFF, v2;
	v11 =	vadd.f32 v11, v3;
	v16 =	vld [tilespmem:s15+$0x2090];
	v3 =	vadd.f32 $1.000000000e+00, v7  }
0x59: {  	v4 =	vmul.f32 v10, v4;
	v17 =	vld [tilespmem:s15+$0x20A0];
	v7 =	vadd.f32 v1, v1;
	v10 =	vand.u32 $0x7FFFFFFF, v14  }
0x5a: {  	s31 =	simm.s32 $0x40;
	s16 =	simm.s32 $0x80;
	v0 =	vsub.f32 v0, v1;
	v18 =	vld [tilespmem:s15+$0xA0];
	v1 =	vmul.f32 v9, v2;
	v9 =	vmul.f32 v3, v10  }
0x5b: {  	s16 =	sand.u32 $0x1F00, s16;
	s14 =	sand.u32 $0x40, s31;
	v14 =	vld [tilespmem:s15+$0x80];
	v3 =	vadd.f32 v4, v6;
	v4 =	vadd.f32 $1.000000000e+00, v7  }
0x5c: {  	s14 =	sor.u32 s14, s16;
	v0 =	vand.u32 $0x7FFFFFFF, v0;
	v10 =	vld [tilespmem:s15+$0x2080];
	v2 =	vadd.f32 v1, v8;
	v1 =	vadd.f32 v9, v5  }
0x5d: {  	v7 =	vld [tilespmem:s14+$0x20B0];
	v0 =	vmul.f32 v4, v0;
	v4 =	vadd.f32 v12, v12;
	v6 =	vsub.f32 v13, v16  }
0x5e: {  	v8 =	vld [tilespmem:s14+$0xB0];
	v9 =	vsub.f32 v15, v12;
	v12 =	vadd.f32 v16, v16  }
0x5f: {  	v5 =	vld [tilespmem:s14+$0x90];
	v15 =	vadd.f32 v17, v17;
	v0 =	vadd.f32 v0, v11  }
0x60: {  	v13 =	vadd.f32 $1.000000000e+00, v4;
	v16 =	vand.u32 $0x7FFFFFFF, v9;
	v9 =	vld [tilespmem:s14+$0x2090];
	v20 =	vadd.f32 $1.000000000e+00, v12  }
0x61: {  	v19 =	vand.u32 $0x7FFFFFFF, v6;
	v4 =	vld [tilespmem:s14+$0x80];
	v11 =	vsub.f32 v14, v10;
	v12 =	vadd.f32 v10, v10  }
0x62: {  	s16 =	simm.s32 $0x80;
	s15 =	simm.s32 $0x100;
	v6 =	vld [tilespmem:s14+$0x2080];
	v14 =	vmul.f32 v13, v16;
	v10 =	vmul.f32 v20, v19;
	v13 =	vsub.f32 v18, v17  }
.LBB2_12:
0x63: {  	s19 =	smov.u32 s16  }
0x64: {  	s17 =	sand.u32 $0x40, s16;
	s18 =	sand.u32 $0x1F00, s15;
	v16 =	vld [tilespmem:s14+$0x20A0];
	v11 =	vand.u32 $0x7FFFFFFF, v11;
	v15 =	vadd.f32 $1.000000000e+00, v15;
	v3 =	vadd.f32 v14, v3;
	s19 =	sadd.s32 $0x40, s16  }
0x65: {  	p0 =	sne.s32 s16, $0xFC0;
	v14 =	vadd.f32 v7, v7;
	v12 =	vadd.f32 $1.000000000e+00, v12;
	v13 =	vand.u32 $0x7FFFFFFF, v13;
	v17 =	vld [tilespmem:s14+$0xA0];
	s14 =	sor.u32 s17, s18  }
0x66: {  	v19 =	vsub.f32 v8, v7;
	v18 =	vsub.f32 v5, v9;
	v13 =	vmul.f32 v15, v13;
	v5 =	vld [tilespmem:s14+$0x90]  }
.Ltmp5:
0x67: {  	v2 =	vadd.f32 v10, v2;
	v15 =	vadd.f32 v9, v9;
	v11 =	vmul.f32 v12, v11;
	v7 =	vld [tilespmem:s14+$0x20B0];
	(pc) =	sbr.rel @p0 .LBB2_12-.Ltmp5, $4  }
0x68: {  	v10 =	vand.u32 $0x7FFFFFFF, v19;
	v12 =	vadd.f32 $1.000000000e+00, v14;
	v1 =	vadd.f32 v13, v1;
	v8 =	vld [tilespmem:s14+$0xB0]  }
0x69: {  	v13 =	vand.u32 $0x7FFFFFFF, v18;
	v18 =	vadd.f32 $1.000000000e+00, v15;
	v0 =	vadd.f32 v11, v0;
	v9 =	vld [tilespmem:s14+$0x2090]  }
0x6a: {  	v11 =	vsub.f32 v4, v6;
	v15 =	vadd.f32 v16, v16;
	v14 =	vmul.f32 v12, v10;
	v4 =	vld [tilespmem:s14+$0x80]  }
0x6b: {  	s15 =	sadd.s32 $0x80, s15;
	s16 =	smov.u32 s19;
	v12 =	vadd.f32 v6, v6;
	v10 =	vmul.f32 v18, v13;
	v13 =	vsub.f32 v17, v16;
	v6 =	vld [tilespmem:s14+$0x2080]  }
0x6c: {  	v15 =	vadd.f32 $1.000000000e+00, v15  }
0x6d: {  	v16 =	vld [tilespmem:s14+$0x20A0];
	v3 =	vadd.f32 v14, v3;
	v54 =	vadd.f32 v7, v7  }
0x6e: {  	v17 =	vld [tilespmem:s14+$0xA0];
	v12 =	vadd.f32 $1.000000000e+00, v12;
	v13 =	vand.u32 $0x7FFFFFFF, v13;
	v55 =	vsub.f32 v8, v7  }
0x6f: {  	v2 =	vadd.f32 v10, v2;
	v56 =	vmul.f32 v15, v13;
	v57 =	vadd.f32 v9, v9  }
0x70: {  	v11 =	vand.u32 $0x7FFFFFFF, v11;
	v5 =	vsub.f32 v5, v9;
	v58 =	vadd.f32 $1.000000000e+00, v54  }
0x71: {  	v11 =	vmul.f32 v12, v11;
	v1 =	vadd.f32 v56, v1;
	v59 =	vadd.f32 $1.000000000e+00, v57  }
0x72: {  	v7 =	vand.u32 $0x7FFFFFFF, v55;
	v61 =	vadd.f32 v6, v6;
	v60 =	vadd.f32 v16, v16  }
0x73: {  	v5 =	vand.u32 $0x7FFFFFFF, v5;
	v4 =	vsub.f32 v4, v6;
	v62 =	vsub.f32 v17, v16  }
0x74: {  	v7 =	vmul.f32 v58, v7;
	v63 =	vadd.f32 $1.000000000e+00, v61;
	v9 =	vadd.f32 $1.000000000e+00, v60  }
0x75: {  	v5 =	vmul.f32 v59, v5;
	v4 =	vand.u32 $0x7FFFFFFF, v4;
	v6 =	vand.u32 $0x7FFFFFFF, v62  }
0x76: {  	v0 =	vadd.f32 v11, v0;
	v4 =	vmul.f32 v63, v4;
	v6 =	vmul.f32 v9, v6  }
0x77: {  	v3 =	vadd.f32 v7, v3;
	v2 =	vadd.f32 v5, v2  }
0x78: {  	v0 =	vadd.f32 v4, v0;
	v1 =	vadd.f32 v6, v1;
	_ =	sdelay $0x1  }
0x79: {  	v0 =	vadd.f32 v2, v0;
	v1 =	vadd.f32 v3, v1;
	_ =	sdelay $0x1  }
0x7a: {  	s13 =	sadd.s32 $0x1, s13;
	v0 =	vadd.f32 v1, v0  }
0x7b: {  	p0 =	sne.s32 s13, s8  }
.Ltmp6:
0x7c: {  	[tilespmem:$0x4000] =	vst v0;
	(pc) =	sbr.rel @p0 .LBB2_1-.Ltmp6, $4  }
0x7d: {  	[hbm4b:s7+s2] =	stream.linear.scatter [tilespmem:s11], [sflag:$0x3], $0x80, $0x38;
	[tilespmem:$0x4080] =	vst v63  }
0x7e: {  	_ =	swait.ge [sflag:s12], $0x80  }
0x7f: {  	[sflag:s12] =	ssyncset.done $0x0  }
0x80: {  	[sflag:s12] =	ssyncadd.s32 $0xFFFFFF80  }
0x81: {  	_ =	sfence.sel $0x180000  }
0x82: {  	[bflag:$0x0] =	sbarrier.arrive $0xFFFF  }
0x83: {  	p0 =	sne.s32 s1, $0x0;
	_ =	strace $0x90000047  }
0x84: {  	s0 =	sadd.s32 @!p0 $0x100000, s0;
	[bflag:$0x2] =	sbarrier.arrive $0xFFFF  }
0x85: {  	[sflag:s0] =	ssyncadd.tile.s32 @!p0 $0x1;
	_ =	shalt  }
.Lfunc_end2:
_tile_overlayer_lowered:
.L_overlay_start_2:
0x86: {  	(tag) =	ssettag $0x2  }
0x87: {  	s0 =	rddreg [dreg:$0x0];
	s2 =	stileid.u32  }
0x88: {  	s1 =	rddreg [dreg:$0x1];
	p0 =	sne.s32 s2, $0x0  }
0x89: {  	s3 =	rddreg [dreg:$0x2];
	[bflag:$0x3] =	sbarrier.arrive $0xFFFF;
	s2 =	simm.s32 @!p0 $0x1C03  }
0x8a: {  	[timem:s3], [sflag:s2] =	dma.local @!p0 [hbm:s0], s1  }
0x8b: {  	s0 =	simm.s32 @!p0 $0x3  }
0x8c: {  	_ =	swait.ge @!p0 [sflag:s0], s1  }
0x8d: {  	s1 =	ssub.s32 @!p0 $0x0, s1;
	[sflag:s0] =	ssyncset.done @!p0 $0x0  }
0x8e: {  	[sflag:s0] =	ssyncadd.s32 @!p0 s1  }
0x8f: {  	[bflag:$0x3] =	sbarrier.arrive $0xFFFF  }
0x90: {  	_ =	shalt  }

</sc_bundles>
